<compile_context>
chip_gen: v7x
topology: tpu7x:2x2x1
jax: 0.10.2.dev20260603
libtpu: 0.0.44.dev20260713+nightly
codegen_flags: <defaults>
</compile_context>

<pallas_src>
import functools

import jax
import jax.numpy as jnp
from jax import lax
from jax.experimental import pallas as pl
from jax.experimental.pallas import tpu as pltpu
from jax.experimental.pallas import tpu_sc as plsc

VOCAB = 100000
DIM = 64
PAD = 0

B = 4096
L = 200
NTOK = B * L


_VB = 4000


def _merge_body(wb_ref, wo_ref, sel_ref, merged_ref):
    sel = sel_ref[...]
    merged_ref[:, :DIM] = jnp.where(sel != 0, wo_ref[...], wb_ref[...])
    merged_ref[:, DIM:] = jnp.zeros((_VB, DIM), jnp.float32)


def _prep_merged(W_base, W_other, sel2):
    return pl.pallas_call(
        _merge_body,
        grid=(VOCAB // _VB,),
        in_specs=[
            pl.BlockSpec((_VB, DIM), lambda i: (i, 0)),
            pl.BlockSpec((_VB, DIM), lambda i: (i, 0)),
            pl.BlockSpec((_VB, 1), lambda i: (i, 0)),
        ],
        out_specs=pl.BlockSpec((_VB, 2 * DIM), lambda i: (i, 0)),
        out_shape=jax.ShapeDtypeStruct((VOCAB, 2 * DIM), jnp.float32),
    )(W_base, W_other, sel2)



_LBK = 8


def _bm_body(xt_ref, bmt_ref):
    bmt_ref[...] = (xt_ref[...] != PAD).astype(jnp.int32)


def _prep_bm(xT):
    return pl.pallas_call(
        _bm_body,
        grid=(L // _LBK,),
        in_specs=[pl.BlockSpec((_LBK, B), lambda i: (i, 0))],
        out_specs=pl.BlockSpec((_LBK, B), lambda i: (i, 0)),
        out_shape=jax.ShapeDtypeStruct((L, B), jnp.int32),
    )(xT)



_TLB = 8
_TBB = 2048


def _tr_body(in_ref, out_ref):
    for l in range(_TLB):
        out_ref[l] = in_ref[:, l, :].T


def _transpose_out(ret_rm):
    return pl.pallas_call(
        _tr_body,
        grid=(L // _TLB, B // _TBB),
        in_specs=[pl.BlockSpec((_TBB, _TLB, DIM), lambda i, j: (j, i, 0))],
        out_specs=pl.BlockSpec((_TLB, DIM, _TBB), lambda i, j: (i, 0, j)),
        out_shape=jax.ShapeDtypeStruct((L, DIM, B), jnp.float32),
    )(ret_rm)



_LA = 96
_LB = L - _LA


def _make_gather():
    info = plsc.get_sparse_core_info()
    nw = info.num_cores * info.num_subcores
    bpw = B // nw
    half = bpw // 2
    npair = half // 2
    mesh = plsc.VectorSubcoreMesh(core_axis_name="c", subcore_axis_name="s")

    @functools.partial(
        pl.kernel,
        mesh=mesh,
        out_type=jax.ShapeDtypeStruct((B, L, DIM), jnp.float32),
        scratch_types=[
            pltpu.VMEM((half * L,), jnp.int32),
            pltpu.VMEM((2, _LA, 2 * DIM), jnp.float32),
            pltpu.VMEM((2, _LB, 2 * DIM), jnp.float32),
            pltpu.VMEM((2, _LA, DIM), jnp.float32),
            pltpu.VMEM((2, _LB, DIM), jnp.float32),
            pltpu.SemaphoreType.DMA,
            pltpu.SemaphoreType.DMA,
        ],
    )
    def gather_k(merged_hbm, x_hbm, out_hbm, xbuf, rowsa, rowsb, wba, wbb,
                 gsem, wsem):
        c = lax.axis_index("c")
        s = lax.axis_index("s")
        wid = s * info.num_cores + c
        b0 = wid * bpw

        def fire_a(j):
            for r in range(2):
                pltpu.async_copy(
                    merged_hbm.at[xbuf.at[pl.ds((2 * j + r) * L, _LA)]],
                    rowsa.at[r], gsem)

        def fire_b(j):
            for r in range(2):
                pltpu.async_copy(
                    merged_hbm.at[xbuf.at[pl.ds((2 * j + r) * L + _LA, _LB)]],
                    rowsb.at[r], gsem)

        def wait_g(rows, n):
            for r in range(2):
                pltpu.make_async_copy(
                    merged_hbm.at[xbuf.at[pl.ds(0, n)]],
                    rows.at[r], gsem).wait()

        def wait_w_a():
            pltpu.make_async_copy(
                wba, out_hbm.at[pl.ds(b0, 2), pl.ds(0, _LA)], wsem).wait()

        def wait_w_b():
            pltpu.make_async_copy(
                wbb, out_hbm.at[pl.ds(b0, 2), pl.ds(_LA, _LB)], wsem).wait()

        def extract(wb, rows, n):
            def body(j, carry):
                for r in range(2):
                    for k in range(DIM // 16):
                        wb[r, j, pl.ds(k * 16, 16)] = (
                            rows[r, j, pl.ds(k * 16, 16)])
                return carry

            lax.fori_loop(0, n, body, 0)

        for h in range(2):
            hb = b0 + h * half
            pltpu.sync_copy(x_hbm.at[pl.ds(hb * L, half * L)], xbuf)
            fire_a(0)
            fire_b(0)

            def pair_body(j, carry):
                bcur = hb + 2 * j

                wait_g(rowsa, _LA)

                @pl.when(j >= 1)
                def _():
                    wait_w_a()

                extract(wba, rowsa, _LA)
                pltpu.async_copy(
                    wba, out_hbm.at[pl.ds(bcur, 2), pl.ds(0, _LA)], wsem)

                @pl.when(j + 1 < npair)
                def _():
                    fire_a(j + 1)

                wait_g(rowsb, _LB)

                @pl.when(j >= 1)
                def _():
                    wait_w_b()

                extract(wbb, rowsb, _LB)
                pltpu.async_copy(
                    wbb, out_hbm.at[pl.ds(bcur, 2), pl.ds(_LA, _LB)], wsem)

                @pl.when(j + 1 < npair)
                def _():
                    fire_b(j + 1)

                return carry

            lax.fori_loop(0, npair, pair_body, 0)
            wait_w_a()
            wait_w_b()

    return gather_k


_gather = _make_gather()


def kernel(x, W_base, W_other, select_mask):
    sel2 = select_mask.reshape(VOCAB, 1)
    merged = _prep_merged(W_base, W_other, sel2)
    ret = _transpose_out(_gather(merged, x.reshape(NTOK))).transpose(2, 0, 1)
    basemask = _prep_bm(x.T).T
    return (ret, basemask)

# --- scband reference (transcript-rebuilt; emitter-appended) ---
"""Pipeline reference for scband-switched-word-emb-40853728919987 (READ-ONLY COPY).

The authoritative reference and input builder live on the scoring server;
editing this copy changes nothing except your own understanding.
"""

import jax, jax.numpy as jnp
import numpy as np

VOCAB = 100000
DIM = 64
B = 4096
L = 200
PAD = 0


def setup_inputs(seed: int = 0) -> dict:
    key = jax.random.key(seed)
    k1, k2, k3, k4 = jax.random.split(key, 4)
    # token indices (eval-mode lookup); values in [0, VOCAB)
    x = jax.random.randint(k1, (B, L), 0, VOCAB)
    # base WordEmb weight: uniform(-0.1, 0.1) per reset_parameters, padding row zeroed
    W_base = jax.random.uniform(k2, (VOCAB, DIM), minval=-0.1, maxval=0.1, dtype=jnp.float32)
    W_base = W_base.at[PAD].set(0.0)
    # one override WordEmb weight
    W_other = jax.random.uniform(k3, (VOCAB, DIM), minval=-0.1, maxval=0.1, dtype=jnp.float32)
    # select_mask buffer: 0 -> use base, 1 -> use override emb (shape [VOCAB] here; torch uses [VOCAB,1])
    select_mask = jax.random.randint(k4, (VOCAB,), 0, 2)
    return {"x": x, "W_base": W_base, "W_other": W_other, "select_mask": select_mask}


def reference(x, W_base, W_other, select_mask):
    # base WordEmb.forward: embedding lookup + mask from padding_idx
    baseemb = jnp.take(W_base, x, axis=0)            # [B, L, DIM]
    basemask = (x != PAD).astype(jnp.int32)          # [B, L]
    # override emb lookup (its own mask is discarded in SwitchedWordEmb)
    otheremb = jnp.take(W_other, x, axis=0)          # [B, L, DIM]
    # torch.stack([baseemb] + otherembs, -1) -> [B, L, DIM, n_embs]
    catemb = jnp.stack([baseemb, otheremb], axis=-1)
    # selmask = select_mask[x] -> [B, L]; repeat over DIM, unsqueeze -> [B, L, DIM, 1]
    selmask = jnp.take(select_mask, x, axis=0)       # [B, L]
    sel = jnp.broadcast_to(selmask[..., None, None], baseemb.shape + (1,))
    # torch.gather(catemb, -1, selmask).squeeze(-1)
    ret = jnp.take_along_axis(catemb, sel, axis=-1).squeeze(-1)  # [B, L, DIM]
    # word_dropout is None in eval / p=0 config -> identity
    return (ret, basemask)

if __name__ == "__main__":
    import jax
    _d = setup_inputs()
    print(jax.jit(kernel)(*tuple(_d.values())))

</pallas_src>

<mosaic_0001>
#map = affine_map<(d0, d1) -> (0, 0)>
#map1 = affine_map<(d0, d1) -> (0)>
#map2 = affine_map<(d0, d1) -> (0, 0, 0)>
module attributes {stable_mosaic.version = 14 : i64} {
  func.func @gather_k(%arg0: i32, %arg1: i32, %arg2: memref<100000x128xf32, #tpu.memory_space<hbm>>, %arg3: memref<819200xi32, #tpu.memory_space<hbm>>, %arg4: memref<4096x200x64xf32, #tpu.memory_space<hbm>>, %arg5: memref<12800xi32, #tpu.memory_space<vmem>>, %arg6: memref<2x96x128xf32, #tpu.memory_space<vmem>>, %arg7: memref<2x104x128xf32, #tpu.memory_space<vmem>>, %arg8: memref<2x96x64xf32, #tpu.memory_space<vmem>>, %arg9: memref<2x104x64xf32, #tpu.memory_space<vmem>>, %arg10: memref<!tpu.dma_semaphore, #tpu.memory_space<semaphore_mem>>, %arg11: memref<!tpu.dma_semaphore, #tpu.memory_space<semaphore_mem>>) attributes {dimension_semantics = [#tpu.dimension_semantics<core_parallel>, #tpu.dimension_semantics<subcore_parallel>], iteration_bounds = array<i64: 2, 16>, scalar_prefetch = 0 : i64, scratch_operands = 7 : i64, tpu.core_type = #tpu.core_type<sc_vector_subcore>, window_params = [{transform_indices = #map}, {transform_indices = #map1}, {transform_indices = #map2}]} {
    %mul3A = arith.constant 2 : i32
    %mul3A_0 = arith.muli %arg1, %mul3A : i32
    %add3A = arith.addi %mul3A_0, %arg0 : i32
    %mul3A_1 = arith.constant 128 : i32
    %mul3A_2 = arith.muli %add3A, %mul3A_1 : i32
    %add3A_3 = arith.constant 0 : i32
    %add3A_4 = arith.addi %mul3A_2, %add3A_3 : i32
    %mul3A_5 = arith.constant 200 : i32
    %mul3A_6 = arith.muli %add3A_4, %mul3A_5 : i32
    "tpu.region"() ({
      %run_scoped3A = tpu.sem_alloc : memref<!tpu.dma_semaphore, #tpu.memory_space<semaphore_mem>>
      %dma_start3A_124 = tpu.memref_slice %arg3[%mul3A_6] : memref<819200xi32, #tpu.memory_space<hbm>> -> memref<12800xi32, #tpu.memory_space<hbm>>
      %dma_start3A_125 = tpu.memref_slice %arg3[%mul3A_6] : memref<819200xi32, #tpu.memory_space<hbm>> -> memref<12800xi32, #tpu.memory_space<hbm>>
      tpu.enqueue_dma source(%dma_start3A_125 : memref<12800xi32, #tpu.memory_space<hbm>>) target(%arg5 : memref<12800xi32, #tpu.memory_space<vmem>>) target_semaphore(%run_scoped3A : memref<!tpu.dma_semaphore, #tpu.memory_space<semaphore_mem>>)
      %dma_wait3A_126 = tpu.memref_slice %arg3[%mul3A_6] : memref<819200xi32, #tpu.memory_space<hbm>> -> memref<12800xi32, #tpu.memory_space<hbm>>
      %dma_wait3A_127 = tpu.memref_slice %arg3[%mul3A_6] : memref<819200xi32, #tpu.memory_space<hbm>> -> memref<12800xi32, #tpu.memory_space<hbm>>
      tpu.wait_dma2 semaphore(%run_scoped3A : memref<!tpu.dma_semaphore, #tpu.memory_space<semaphore_mem>>) src(%dma_wait3A_127 : memref<12800xi32, #tpu.memory_space<hbm>>) dst(%arg5 : memref<12800xi32, #tpu.memory_space<vmem>>)
      tpu.yield
    }) : () -> ()
    %dma_start3A = arith.constant 0 : i32
    %dma_start3A_7 = arith.constant 0 : i32
    %dma_start3A_8 = arith.constant 0 : i32
    %dma_start3A_9 = tpu.memref_slice %arg6[%dma_start3A, %dma_start3A_7, %dma_start3A_8] : memref<2x96x128xf32, #tpu.memory_space<vmem>> -> memref<1x96x128xf32, #tpu.memory_space<vmem>>
    %dma_start3A_10 = tpu.memref_squeeze %dma_start3A_9 : memref<1x96x128xf32, #tpu.memory_space<vmem>> -> memref<96x128xf32, #tpu.memory_space<vmem>>
    %dma_start3A_11 = arith.constant 0 : i32
    %dma_start3A_12 = tpu.memref_slice %arg5[%dma_start3A_11] : memref<12800xi32, #tpu.memory_space<vmem>> -> memref<96xi32, #tpu.memory_space<vmem>>
    %dma_start3A_13 = arith.constant 0 : i32
    %dma_start3A_14 = arith.constant 0 : i32
    %dma_start3A_15 = tpu.memref_slice %arg2[%dma_start3A_13, %dma_start3A_14] : memref<100000x128xf32, #tpu.memory_space<hbm>> -> memref<100000x128xf32, #tpu.memory_space<hbm>>
    tpu.enqueue_indirect_dma source(%dma_start3A_15 : memref<100000x128xf32, #tpu.memory_space<hbm>>) target(%dma_start3A_10 : memref<96x128xf32, #tpu.memory_space<vmem>>) offsets(%dma_start3A_12 : memref<96xi32, #tpu.memory_space<vmem>>) semaphore(%arg10 : memref<!tpu.dma_semaphore, #tpu.memory_space<semaphore_mem>>)
    %dma_start3A_16 = arith.constant 1 : i32
    %dma_start3A_17 = arith.constant 0 : i32
    %dma_start3A_18 = arith.constant 0 : i32
    %dma_start3A_19 = tpu.memref_slice %arg6[%dma_start3A_16, %dma_start3A_17, %dma_start3A_18] : memref<2x96x128xf32, #tpu.memory_space<vmem>> -> memref<1x96x128xf32, #tpu.memory_space<vmem>>
    %dma_start3A_20 = tpu.memref_squeeze %dma_start3A_19 : memref<1x96x128xf32, #tpu.memory_space<vmem>> -> memref<96x128xf32, #tpu.memory_space<vmem>>
    %dma_start3A_21 = arith.constant 200 : i32
    %dma_start3A_22 = tpu.memref_slice %arg5[%dma_start3A_21] : memref<12800xi32, #tpu.memory_space<vmem>> -> memref<96xi32, #tpu.memory_space<vmem>>
    %dma_start3A_23 = arith.constant 0 : i32
    %dma_start3A_24 = arith.constant 0 : i32
    %dma_start3A_25 = tpu.memref_slice %arg2[%dma_start3A_23, %dma_start3A_24] : memref<100000x128xf32, #tpu.memory_space<hbm>> -> memref<100000x128xf32, #tpu.memory_space<hbm>>
    tpu.enqueue_indirect_dma source(%dma_start3A_25 : memref<100000x128xf32, #tpu.memory_space<hbm>>) target(%dma_start3A_20 : memref<96x128xf32, #tpu.memory_space<vmem>>) offsets(%dma_start3A_22 : memref<96xi32, #tpu.memory_space<vmem>>) semaphore(%arg10 : memref<!tpu.dma_semaphore, #tpu.memory_space<semaphore_mem>>)
    %dma_start3A_26 = arith.constant 0 : i32
    %dma_start3A_27 = arith.constant 0 : i32
    %dma_start3A_28 = arith.constant 0 : i32
    %dma_start3A_29 = tpu.memref_slice %arg7[%dma_start3A_26, %dma_start3A_27, %dma_start3A_28] : memref<2x104x128xf32, #tpu.memory_space<vmem>> -> memref<1x104x128xf32, #tpu.memory_space<vmem>>
    %dma_start3A_30 = tpu.memref_squeeze %dma_start3A_29 : memref<1x104x128xf32, #tpu.memory_space<vmem>> -> memref<104x128xf32, #tpu.memory_space<vmem>>
    %dma_start3A_31 = arith.constant 96 : i32
    %dma_start3A_32 = tpu.memref_slice %arg5[%dma_start3A_31] : memref<12800xi32, #tpu.memory_space<vmem>> -> memref<104xi32, #tpu.memory_space<vmem>>
    %dma_start3A_33 = arith.constant 0 : i32
    %dma_start3A_34 = arith.constant 0 : i32
    %dma_start3A_35 = tpu.memref_slice %arg2[%dma_start3A_33, %dma_start3A_34] : memref<100000x128xf32, #tpu.memory_space<hbm>> -> memref<100000x128xf32, #tpu.memory_space<hbm>>
    tpu.enqueue_indirect_dma source(%dma_start3A_35 : memref<100000x128xf32, #tpu.memory_space<hbm>>) target(%dma_start3A_30 : memref<104x128xf32, #tpu.memory_space<vmem>>) offsets(%dma_start3A_32 : memref<104xi32, #tpu.memory_space<vmem>>) semaphore(%arg10 : memref<!tpu.dma_semaphore, #tpu.memory_space<semaphore_mem>>)
    %dma_start3A_36 = arith.constant 1 : i32
    %dma_start3A_37 = arith.constant 0 : i32
    %dma_start3A_38 = arith.constant 0 : i32
    %dma_start3A_39 = tpu.memref_slice %arg7[%dma_start3A_36, %dma_start3A_37, %dma_start3A_38] : memref<2x104x128xf32, #tpu.memory_space<vmem>> -> memref<1x104x128xf32, #tpu.memory_space<vmem>>
    %dma_start3A_40 = tpu.memref_squeeze %dma_start3A_39 : memref<1x104x128xf32, #tpu.memory_space<vmem>> -> memref<104x128xf32, #tpu.memory_space<vmem>>
    %dma_start3A_41 = arith.constant 296 : i32
    %dma_start3A_42 = tpu.memref_slice %arg5[%dma_start3A_41] : memref<12800xi32, #tpu.memory_space<vmem>> -> memref<104xi32, #tpu.memory_space<vmem>>
    %dma_start3A_43 = arith.constant 0 : i32
    %dma_start3A_44 = arith.constant 0 : i32
    %dma_start3A_45 = tpu.memref_slice %arg2[%dma_start3A_43, %dma_start3A_44] : memref<100000x128xf32, #tpu.memory_space<hbm>> -> memref<100000x128xf32, #tpu.memory_space<hbm>>
    tpu.enqueue_indirect_dma source(%dma_start3A_45 : memref<100000x128xf32, #tpu.memory_space<hbm>>) target(%dma_start3A_40 : memref<104x128xf32, #tpu.memory_space<vmem>>) offsets(%dma_start3A_42 : memref<104xi32, #tpu.memory_space<vmem>>) semaphore(%arg10 : memref<!tpu.dma_semaphore, #tpu.memory_space<semaphore_mem>>)
    %scan3A = arith.constant 0 : i32
    %scan3A_46 = arith.constant 0 : i32
    %scan3A_47 = arith.constant 32 : i32
    %scan3A_48 = arith.addi %scan3A_46, %scan3A_47 : i32
    %scan3A_49 = arith.constant 1 : i32
    scf.for %scan3A_124 = %scan3A_46 to %scan3A_48 step %scan3A_49  : i32 {
      %mul3A_125 = arith.constant 2 : i32
      %mul3A_126 = arith.muli %mul3A_125, %scan3A_124 : i32
      %add3A_127 = arith.addi %add3A_4, %mul3A_126 : i32
      %dma_wait3A_128 = arith.constant 0 : i32
      %dma_wait3A_129 = arith.constant 0 : i32
      %dma_wait3A_130 = arith.constant 0 : i32
      %dma_wait3A_131 = tpu.memref_slice %arg6[%dma_wait3A_128, %dma_wait3A_129, %dma_wait3A_130] : memref<2x96x128xf32, #tpu.memory_space<vmem>> -> memref<1x96x128xf32, #tpu.memory_space<vmem>>
      %dma_wait3A_132 = tpu.memref_squeeze %dma_wait3A_131 : memref<1x96x128xf32, #tpu.memory_space<vmem>> -> memref<96x128xf32, #tpu.memory_space<vmem>>
      %dma_wait3A_133 = arith.constant 0 : i32
      %dma_wait3A_134 = tpu.memref_slice %arg5[%dma_wait3A_133] : memref<12800xi32, #tpu.memory_space<vmem>> -> memref<96xi32, #tpu.memory_space<vmem>>
      %dma_wait3A_135 = arith.constant 0 : i32
      %dma_wait3A_136 = arith.constant 0 : i32
      %dma_wait3A_137 = tpu.memref_slice %arg2[%dma_wait3A_135, %dma_wait3A_136] : memref<100000x128xf32, #tpu.memory_space<hbm>> -> memref<100000x128xf32, #tpu.memory_space<hbm>>
      tpu.wait_indirect_dma semaphore(%arg10 : memref<!tpu.dma_semaphore, #tpu.memory_space<semaphore_mem>>) src(%dma_wait3A_137 : memref<100000x128xf32, #tpu.memory_space<hbm>>) dst(%dma_wait3A_132 : memref<96x128xf32, #tpu.memory_space<vmem>>)
      %dma_wait3A_138 = arith.constant 1 : i32
      %dma_wait3A_139 = arith.constant 0 : i32
      %dma_wait3A_140 = arith.constant 0 : i32
      %dma_wait3A_141 = tpu.memref_slice %arg6[%dma_wait3A_138, %dma_wait3A_139, %dma_wait3A_140] : memref<2x96x128xf32, #tpu.memory_space<vmem>> -> memref<1x96x128xf32, #tpu.memory_space<vmem>>
      %dma_wait3A_142 = tpu.memref_squeeze %dma_wait3A_141 : memref<1x96x128xf32, #tpu.memory_space<vmem>> -> memref<96x128xf32, #tpu.memory_space<vmem>>
      %dma_wait3A_143 = arith.constant 0 : i32
      %dma_wait3A_144 = tpu.memref_slice %arg5[%dma_wait3A_143] : memref<12800xi32, #tpu.memory_space<vmem>> -> memref<96xi32, #tpu.memory_space<vmem>>
      %dma_wait3A_145 = arith.constant 0 : i32
      %dma_wait3A_146 = arith.constant 0 : i32
      %dma_wait3A_147 = tpu.memref_slice %arg2[%dma_wait3A_145, %dma_wait3A_146] : memref<100000x128xf32, #tpu.memory_space<hbm>> -> memref<100000x128xf32, #tpu.memory_space<hbm>>
      tpu.wait_indirect_dma semaphore(%arg10 : memref<!tpu.dma_semaphore, #tpu.memory_space<semaphore_mem>>) src(%dma_wait3A_147 : memref<100000x128xf32, #tpu.memory_space<hbm>>) dst(%dma_wait3A_142 : memref<96x128xf32, #tpu.memory_space<vmem>>)
      %ge3A = arith.constant 1 : i32
      %ge3A_148 = arith.cmpi sge, %scan3A_124, %ge3A : i32
      %convert_element_type3A = arith.extui %ge3A_148 : i1 to i32
      %cond3A = arith.constant 0 : i32
      %cond3A_149 = arith.cmpi ne, %convert_element_type3A, %cond3A : i32
      scf.if %cond3A_149 {
        %dma_wait3A_212 = arith.constant 0 : i32
        %dma_wait3A_213 = arith.constant 0 : i32
        %dma_wait3A_214 = tpu.memref_slice %arg4[%mul3A_2, %dma_wait3A_212, %dma_wait3A_213] : memref<4096x200x64xf32, #tpu.memory_space<hbm>> -> memref<2x96x64xf32, #tpu.memory_space<hbm>>
        %dma_wait3A_215 = arith.constant 0 : i32
        %dma_wait3A_216 = arith.constant 0 : i32
        %dma_wait3A_217 = tpu.memref_slice %arg4[%mul3A_2, %dma_wait3A_215, %dma_wait3A_216] : memref<4096x200x64xf32, #tpu.memory_space<hbm>> -> memref<2x96x64xf32, #tpu.memory_space<hbm>>
        tpu.wait_dma2 semaphore(%arg11 : memref<!tpu.dma_semaphore, #tpu.memory_space<semaphore_mem>>) src(%arg8 : memref<2x96x64xf32, #tpu.memory_space<vmem>>) dst(%dma_wait3A_217 : memref<2x96x64xf32, #tpu.memory_space<hbm>>)
      } else {
      }
      %scan3A_150 = arith.constant 0 : i32
      %scan3A_151 = arith.constant 0 : i32
      %scan3A_152 = arith.constant 96 : i32
      %scan3A_153 = arith.addi %scan3A_151, %scan3A_152 : i32
      %scan3A_154 = arith.constant 1 : i32
      scf.for %scan3A_212 = %scan3A_151 to %scan3A_153 step %scan3A_154  : i32 {
        %get3A = arith.constant 0 : i32
        %get3A_213 = arith.index_cast %get3A : i32 to index
        %get3A_214 = arith.index_cast %scan3A_212 : i32 to index
        %get3A_215 = arith.constant 0 : index
        %get3A_216 = tpu.vector_load %arg6[%get3A_213, %get3A_214, %get3A_215] {strides = array<i32>} : memref<2x96x128xf32, #tpu.memory_space<vmem>>, vector<1x1x16xf32>,
        %get3A_217 = vector.shape_cast %get3A_216 : vector<1x1x16xf32> to vector<16xf32>
        %swap3A = arith.constant 0 : i32
        %swap3A_218 = arith.index_cast %swap3A : i32 to index
        %swap3A_219 = arith.index_cast %scan3A_212 : i32 to index
        %swap3A_220 = arith.constant 0 : index
        %swap3A_221 = tpu.vector_load %arg8[%swap3A_218, %swap3A_219, %swap3A_220] {strides = array<i32>} : memref<2x96x64xf32, #tpu.memory_space<vmem>>, vector<1x1x16xf32>,
        %swap3A_222 = vector.shape_cast %swap3A_221 : vector<1x1x16xf32> to vector<16xf32>
        %swap3A_223 = vector.shape_cast %get3A_217 : vector<16xf32> to vector<1x1x16xf32>
        tpu.vector_store %arg8[%swap3A_218, %swap3A_219, %swap3A_220], %swap3A_223 {strides = array<i32>} : memref<2x96x64xf32, #tpu.memory_space<vmem>>, vector<1x1x16xf32>,
        %get3A_224 = arith.constant 0 : i32
        %get3A_225 = arith.index_cast %get3A_224 : i32 to index
        %get3A_226 = arith.index_cast %scan3A_212 : i32 to index
        %get3A_227 = arith.constant 16 : index
        %get3A_228 = tpu.vector_load %arg6[%get3A_225, %get3A_226, %get3A_227] {strides = array<i32>} : memref<2x96x128xf32, #tpu.memory_space<vmem>>, vector<1x1x16xf32>,
        %get3A_229 = vector.shape_cast %get3A_228 : vector<1x1x16xf32> to vector<16xf32>
        %swap3A_230 = arith.constant 0 : i32
        %swap3A_231 = arith.index_cast %swap3A_230 : i32 to index
        %swap3A_232 = arith.index_cast %scan3A_212 : i32 to index
        %swap3A_233 = arith.constant 16 : index
        %swap3A_234 = tpu.vector_load %arg8[%swap3A_231, %swap3A_232, %swap3A_233] {strides = array<i32>} : memref<2x96x64xf32, #tpu.memory_space<vmem>>, vector<1x1x16xf32>,
        %swap3A_235 = vector.shape_cast %swap3A_234 : vector<1x1x16xf32> to vector<16xf32>
        %swap3A_236 = vector.shape_cast %get3A_229 : vector<16xf32> to vector<1x1x16xf32>
        tpu.vector_store %arg8[%swap3A_231, %swap3A_232, %swap3A_233], %swap3A_236 {strides = array<i32>} : memref<2x96x64xf32, #tpu.memory_space<vmem>>, vector<1x1x16xf32>,
        %get3A_237 = arith.constant 0 : i32
        %get3A_238 = arith.index_cast %get3A_237 : i32 to index
        %get3A_239 = arith.index_cast %scan3A_212 : i32 to index
        %get3A_240 = arith.constant 32 : index
        %get3A_241 = tpu.vector_load %arg6[%get3A_238, %get3A_239, %get3A_240] {strides = array<i32>} : memref<2x96x128xf32, #tpu.memory_space<vmem>>, vector<1x1x16xf32>,
        %get3A_242 = vector.shape_cast %get3A_241 : vector<1x1x16xf32> to vector<16xf32>
        %swap3A_243 = arith.constant 0 : i32
        %swap3A_244 = arith.index_cast %swap3A_243 : i32 to index
        %swap3A_245 = arith.index_cast %scan3A_212 : i32 to index
        %swap3A_246 = arith.constant 32 : index
        %swap3A_247 = tpu.vector_load %arg8[%swap3A_244, %swap3A_245, %swap3A_246] {strides = array<i32>} : memref<2x96x64xf32, #tpu.memory_space<vmem>>, vector<1x1x16xf32>,
        %swap3A_248 = vector.shape_cast %swap3A_247 : vector<1x1x16xf32> to vector<16xf32>
        %swap3A_249 = vector.shape_cast %get3A_242 : vector<16xf32> to vector<1x1x16xf32>
        tpu.vector_store %arg8[%swap3A_244, %swap3A_245, %swap3A_246], %swap3A_249 {strides = array<i32>} : memref<2x96x64xf32, #tpu.memory_space<vmem>>, vector<1x1x16xf32>,
        %get3A_250 = arith.constant 0 : i32
        %get3A_251 = arith.index_cast %get3A_250 : i32 to index
        %get3A_252 = arith.index_cast %scan3A_212 : i32 to index
        %get3A_253 = arith.constant 48 : index
        %get3A_254 = tpu.vector_load %arg6[%get3A_251, %get3A_252, %get3A_253] {strides = array<i32>} : memref<2x96x128xf32, #tpu.memory_space<vmem>>, vector<1x1x16xf32>,
        %get3A_255 = vector.shape_cast %get3A_254 : vector<1x1x16xf32> to vector<16xf32>
        %swap3A_256 = arith.constant 0 : i32
        %swap3A_257 = arith.index_cast %swap3A_256 : i32 to index
        %swap3A_258 = arith.index_cast %scan3A_212 : i32 to index
        %swap3A_259 = arith.constant 48 : index
        %swap3A_260 = tpu.vector_load %arg8[%swap3A_257, %swap3A_258, %swap3A_259] {strides = array<i32>} : memref<2x96x64xf32, #tpu.memory_space<vmem>>, vector<1x1x16xf32>,
        %swap3A_261 = vector.shape_cast %swap3A_260 : vector<1x1x16xf32> to vector<16xf32>
        %swap3A_262 = vector.shape_cast %get3A_255 : vector<16xf32> to vector<1x1x16xf32>
        tpu.vector_store %arg8[%swap3A_257, %swap3A_258, %swap3A_259], %swap3A_262 {strides = array<i32>} : memref<2x96x64xf32, #tpu.memory_space<vmem>>, vector<1x1x16xf32>,
        %get3A_263 = arith.constant 1 : i32
        %get3A_264 = arith.index_cast %get3A_263 : i32 to index
        %get3A_265 = arith.index_cast %scan3A_212 : i32 to index
        %get3A_266 = arith.constant 0 : index
        %get3A_267 = tpu.vector_load %arg6[%get3A_264, %get3A_265, %get3A_266] {strides = array<i32>} : memref<2x96x128xf32, #tpu.memory_space<vmem>>, vector<1x1x16xf32>,
        %get3A_268 = vector.shape_cast %get3A_267 : vector<1x1x16xf32> to vector<16xf32>
        %swap3A_269 = arith.constant 1 : i32
        %swap3A_270 = arith.index_cast %swap3A_269 : i32 to index
        %swap3A_271 = arith.index_cast %scan3A_212 : i32 to index
        %swap3A_272 = arith.constant 0 : index
        %swap3A_273 = tpu.vector_load %arg8[%swap3A_270, %swap3A_271, %swap3A_272] {strides = array<i32>} : memref<2x96x64xf32, #tpu.memory_space<vmem>>, vector<1x1x16xf32>,
        %swap3A_274 = vector.shape_cast %swap3A_273 : vector<1x1x16xf32> to vector<16xf32>
        %swap3A_275 = vector.shape_cast %get3A_268 : vector<16xf32> to vector<1x1x16xf32>
        tpu.vector_store %arg8[%swap3A_270, %swap3A_271, %swap3A_272], %swap3A_275 {strides = array<i32>} : memref<2x96x64xf32, #tpu.memory_space<vmem>>, vector<1x1x16xf32>,
        %get3A_276 = arith.constant 1 : i32
        %get3A_277 = arith.index_cast %get3A_276 : i32 to index
        %get3A_278 = arith.index_cast %scan3A_212 : i32 to index
        %get3A_279 = arith.constant 16 : index
        %get3A_280 = tpu.vector_load %arg6[%get3A_277, %get3A_278, %get3A_279] {strides = array<i32>} : memref<2x96x128xf32, #tpu.memory_space<vmem>>, vector<1x1x16xf32>,
        %get3A_281 = vector.shape_cast %get3A_280 : vector<1x1x16xf32> to vector<16xf32>
        %swap3A_282 = arith.constant 1 : i32
        %swap3A_283 = arith.index_cast %swap3A_282 : i32 to index
        %swap3A_284 = arith.index_cast %scan3A_212 : i32 to index
        %swap3A_285 = arith.constant 16 : index
        %swap3A_286 = tpu.vector_load %arg8[%swap3A_283, %swap3A_284, %swap3A_285] {strides = array<i32>} : memref<2x96x64xf32, #tpu.memory_space<vmem>>, vector<1x1x16xf32>,
        %swap3A_287 = vector.shape_cast %swap3A_286 : vector<1x1x16xf32> to vector<16xf32>
        %swap3A_288 = vector.shape_cast %get3A_281 : vector<16xf32> to vector<1x1x16xf32>
        tpu.vector_store %arg8[%swap3A_283, %swap3A_284, %swap3A_285], %swap3A_288 {strides = array<i32>} : memref<2x96x64xf32, #tpu.memory_space<vmem>>, vector<1x1x16xf32>,
        %get3A_289 = arith.constant 1 : i32
        %get3A_290 = arith.index_cast %get3A_289 : i32 to index
        %get3A_291 = arith.index_cast %scan3A_212 : i32 to index
        %get3A_292 = arith.constant 32 : index
        %get3A_293 = tpu.vector_load %arg6[%get3A_290, %get3A_291, %get3A_292] {strides = array<i32>} : memref<2x96x128xf32, #tpu.memory_space<vmem>>, vector<1x1x16xf32>,
        %get3A_294 = vector.shape_cast %get3A_293 : vector<1x1x16xf32> to vector<16xf32>
        %swap3A_295 = arith.constant 1 : i32
        %swap3A_296 = arith.index_cast %swap3A_295 : i32 to index
        %swap3A_297 = arith.index_cast %scan3A_212 : i32 to index
        %swap3A_298 = arith.constant 32 : index
        %swap3A_299 = tpu.vector_load %arg8[%swap3A_296, %swap3A_297, %swap3A_298] {strides = array<i32>} : memref<2x96x64xf32, #tpu.memory_space<vmem>>, vector<1x1x16xf32>,
        %swap3A_300 = vector.shape_cast %swap3A_299 : vector<1x1x16xf32> to vector<16xf32>
        %swap3A_301 = vector.shape_cast %get3A_294 : vector<16xf32> to vector<1x1x16xf32>
        tpu.vector_store %arg8[%swap3A_296, %swap3A_297, %swap3A_298], %swap3A_301 {strides = array<i32>} : memref<2x96x64xf32, #tpu.memory_space<vmem>>, vector<1x1x16xf32>,
        %get3A_302 = arith.constant 1 : i32
        %get3A_303 = arith.index_cast %get3A_302 : i32 to index
        %get3A_304 = arith.index_cast %scan3A_212 : i32 to index
        %get3A_305 = arith.constant 48 : index
        %get3A_306 = tpu.vector_load %arg6[%get3A_303, %get3A_304, %get3A_305] {strides = array<i32>} : memref<2x96x128xf32, #tpu.memory_space<vmem>>, vector<1x1x16xf32>,
        %get3A_307 = vector.shape_cast %get3A_306 : vector<1x1x16xf32> to vector<16xf32>
        %swap3A_308 = arith.constant 1 : i32
        %swap3A_309 = arith.index_cast %swap3A_308 : i32 to index
        %swap3A_310 = arith.index_cast %scan3A_212 : i32 to index
        %swap3A_311 = arith.constant 48 : index
        %swap3A_312 = tpu.vector_load %arg8[%swap3A_309, %swap3A_310, %swap3A_311] {strides = array<i32>} : memref<2x96x64xf32, #tpu.memory_space<vmem>>, vector<1x1x16xf32>,
        %swap3A_313 = vector.shape_cast %swap3A_312 : vector<1x1x16xf32> to vector<16xf32>
        %swap3A_314 = vector.shape_cast %get3A_307 : vector<16xf32> to vector<1x1x16xf32>
        tpu.vector_store %arg8[%swap3A_309, %swap3A_310, %swap3A_311], %swap3A_314 {strides = array<i32>} : memref<2x96x64xf32, #tpu.memory_space<vmem>>, vector<1x1x16xf32>,
      }
      %scan3A_155 = arith.constant 96 : i32
      %dma_start3A_156 = arith.constant 0 : i32
      %dma_start3A_157 = arith.constant 0 : i32
      %dma_start3A_158 = tpu.memref_slice %arg4[%add3A_127, %dma_start3A_156, %dma_start3A_157] : memref<4096x200x64xf32, #tpu.memory_space<hbm>> -> memref<2x96x64xf32, #tpu.memory_space<hbm>>
      %dma_start3A_159 = arith.constant 0 : i32
      %dma_start3A_160 = arith.constant 0 : i32
      %dma_start3A_161 = tpu.memref_slice %arg4[%add3A_127, %dma_start3A_159, %dma_start3A_160] : memref<4096x200x64xf32, #tpu.memory_space<hbm>> -> memref<2x96x64xf32, #tpu.memory_space<hbm>>
      tpu.enqueue_dma source(%arg8 : memref<2x96x64xf32, #tpu.memory_space<vmem>>) target(%dma_start3A_161 : memref<2x96x64xf32, #tpu.memory_space<hbm>>) target_semaphore(%arg11 : memref<!tpu.dma_semaphore, #tpu.memory_space<semaphore_mem>>)
      %add3A_162 = arith.constant 1 : i32
      %add3A_163 = arith.addi %scan3A_124, %add3A_162 : i32
      %lt3A = arith.constant 32 : i32
      %lt3A_164 = arith.cmpi slt, %add3A_163, %lt3A : i32
      %convert_element_type3A_165 = arith.extui %lt3A_164 : i1 to i32
      %cond3A_166 = arith.constant 0 : i32
      %cond3A_167 = arith.cmpi ne, %convert_element_type3A_165, %cond3A_166 : i32
      scf.if %cond3A_167 {
        %add3A_212 = arith.constant 1 : i32
        %add3A_213 = arith.addi %scan3A_124, %add3A_212 : i32
        %mul3A_214 = arith.constant 2 : i32
        %mul3A_215 = arith.muli %mul3A_214, %add3A_213 : i32
        %add3A_216 = arith.constant 0 : i32
        %add3A_217 = arith.addi %mul3A_215, %add3A_216 : i32
        %mul3A_218 = arith.constant 200 : i32
        %mul3A_219 = arith.muli %add3A_217, %mul3A_218 : i32
        %dma_start3A_220 = arith.constant 0 : i32
        %dma_start3A_221 = arith.constant 0 : i32
        %dma_start3A_222 = arith.constant 0 : i32
        %dma_start3A_223 = tpu.memref_slice %arg6[%dma_start3A_220, %dma_start3A_221, %dma_start3A_222] : memref<2x96x128xf32, #tpu.memory_space<vmem>> -> memref<1x96x128xf32, #tpu.memory_space<vmem>>
        %dma_start3A_224 = tpu.memref_squeeze %dma_start3A_223 : memref<1x96x128xf32, #tpu.memory_space<vmem>> -> memref<96x128xf32, #tpu.memory_space<vmem>>
        %dma_start3A_225 = tpu.memref_slice %arg5[%mul3A_219] : memref<12800xi32, #tpu.memory_space<vmem>> -> memref<96xi32, #tpu.memory_space<vmem>>
        %dma_start3A_226 = arith.constant 0 : i32
        %dma_start3A_227 = arith.constant 0 : i32
        %dma_start3A_228 = tpu.memref_slice %arg2[%dma_start3A_226, %dma_start3A_227] : memref<100000x128xf32, #tpu.memory_space<hbm>> -> memref<100000x128xf32, #tpu.memory_space<hbm>>
        tpu.enqueue_indirect_dma source(%dma_start3A_228 : memref<100000x128xf32, #tpu.memory_space<hbm>>) target(%dma_start3A_224 : memref<96x128xf32, #tpu.memory_space<vmem>>) offsets(%dma_start3A_225 : memref<96xi32, #tpu.memory_space<vmem>>) semaphore(%arg10 : memref<!tpu.dma_semaphore, #tpu.memory_space<semaphore_mem>>)
        %mul3A_229 = arith.constant 2 : i32
        %mul3A_230 = arith.muli %mul3A_229, %add3A_213 : i32
        %add3A_231 = arith.constant 1 : i32
        %add3A_232 = arith.addi %mul3A_230, %add3A_231 : i32
        %mul3A_233 = arith.constant 200 : i32
        %mul3A_234 = arith.muli %add3A_232, %mul3A_233 : i32
        %dma_start3A_235 = arith.constant 1 : i32
        %dma_start3A_236 = arith.constant 0 : i32
        %dma_start3A_237 = arith.constant 0 : i32
        %dma_start3A_238 = tpu.memref_slice %arg6[%dma_start3A_235, %dma_start3A_236, %dma_start3A_237] : memref<2x96x128xf32, #tpu.memory_space<vmem>> -> memref<1x96x128xf32, #tpu.memory_space<vmem>>
        %dma_start3A_239 = tpu.memref_squeeze %dma_start3A_238 : memref<1x96x128xf32, #tpu.memory_space<vmem>> -> memref<96x128xf32, #tpu.memory_space<vmem>>
        %dma_start3A_240 = tpu.memref_slice %arg5[%mul3A_234] : memref<12800xi32, #tpu.memory_space<vmem>> -> memref<96xi32, #tpu.memory_space<vmem>>
        %dma_start3A_241 = arith.constant 0 : i32
        %dma_start3A_242 = arith.constant 0 : i32
        %dma_start3A_243 = tpu.memref_slice %arg2[%dma_start3A_241, %dma_start3A_242] : memref<100000x128xf32, #tpu.memory_space<hbm>> -> memref<100000x128xf32, #tpu.memory_space<hbm>>
        tpu.enqueue_indirect_dma source(%dma_start3A_243 : memref<100000x128xf32, #tpu.memory_space<hbm>>) target(%dma_start3A_239 : memref<96x128xf32, #tpu.memory_space<vmem>>) offsets(%dma_start3A_240 : memref<96xi32, #tpu.memory_space<vmem>>) semaphore(%arg10 : memref<!tpu.dma_semaphore, #tpu.memory_space<semaphore_mem>>)
      } else {
      }
      %dma_wait3A_168 = arith.constant 0 : i32
      %dma_wait3A_169 = arith.constant 0 : i32
      %dma_wait3A_170 = arith.constant 0 : i32
      %dma_wait3A_171 = tpu.memref_slice %arg7[%dma_wait3A_168, %dma_wait3A_169, %dma_wait3A_170] : memref<2x104x128xf32, #tpu.memory_space<vmem>> -> memref<1x104x128xf32, #tpu.memory_space<vmem>>
      %dma_wait3A_172 = tpu.memref_squeeze %dma_wait3A_171 : memref<1x104x128xf32, #tpu.memory_space<vmem>> -> memref<104x128xf32, #tpu.memory_space<vmem>>
      %dma_wait3A_173 = arith.constant 0 : i32
      %dma_wait3A_174 = tpu.memref_slice %arg5[%dma_wait3A_173] : memref<12800xi32, #tpu.memory_space<vmem>> -> memref<104xi32, #tpu.memory_space<vmem>>
      %dma_wait3A_175 = arith.constant 0 : i32
      %dma_wait3A_176 = arith.constant 0 : i32
      %dma_wait3A_177 = tpu.memref_slice %arg2[%dma_wait3A_175, %dma_wait3A_176] : memref<100000x128xf32, #tpu.memory_space<hbm>> -> memref<100000x128xf32, #tpu.memory_space<hbm>>
      tpu.wait_indirect_dma semaphore(%arg10 : memref<!tpu.dma_semaphore, #tpu.memory_space<semaphore_mem>>) src(%dma_wait3A_177 : memref<100000x128xf32, #tpu.memory_space<hbm>>) dst(%dma_wait3A_172 : memref<104x128xf32, #tpu.memory_space<vmem>>)
      %dma_wait3A_178 = arith.constant 1 : i32
      %dma_wait3A_179 = arith.constant 0 : i32
      %dma_wait3A_180 = arith.constant 0 : i32
      %dma_wait3A_181 = tpu.memref_slice %arg7[%dma_wait3A_178, %dma_wait3A_179, %dma_wait3A_180] : memref<2x104x128xf32, #tpu.memory_space<vmem>> -> memref<1x104x128xf32, #tpu.memory_space<vmem>>
      %dma_wait3A_182 = tpu.memref_squeeze %dma_wait3A_181 : memref<1x104x128xf32, #tpu.memory_space<vmem>> -> memref<104x128xf32, #tpu.memory_space<vmem>>
      %dma_wait3A_183 = arith.constant 0 : i32
      %dma_wait3A_184 = tpu.memref_slice %arg5[%dma_wait3A_183] : memref<12800xi32, #tpu.memory_space<vmem>> -> memref<104xi32, #tpu.memory_space<vmem>>
      %dma_wait3A_185 = arith.constant 0 : i32
      %dma_wait3A_186 = arith.constant 0 : i32
      %dma_wait3A_187 = tpu.memref_slice %arg2[%dma_wait3A_185, %dma_wait3A_186] : memref<100000x128xf32, #tpu.memory_space<hbm>> -> memref<100000x128xf32, #tpu.memory_space<hbm>>
      tpu.wait_indirect_dma semaphore(%arg10 : memref<!tpu.dma_semaphore, #tpu.memory_space<semaphore_mem>>) src(%dma_wait3A_187 : memref<100000x128xf32, #tpu.memory_space<hbm>>) dst(%dma_wait3A_182 : memref<104x128xf32, #tpu.memory_space<vmem>>)
      %ge3A_188 = arith.constant 1 : i32
      %ge3A_189 = arith.cmpi sge, %scan3A_124, %ge3A_188 : i32
      %convert_element_type3A_190 = arith.extui %ge3A_189 : i1 to i32
      %cond3A_191 = arith.constant 0 : i32
      %cond3A_192 = arith.cmpi ne, %convert_element_type3A_190, %cond3A_191 : i32
      scf.if %cond3A_192 {
        %dma_wait3A_212 = arith.constant 96 : i32
        %dma_wait3A_213 = arith.constant 0 : i32
        %dma_wait3A_214 = tpu.memref_slice %arg4[%mul3A_2, %dma_wait3A_212, %dma_wait3A_213] : memref<4096x200x64xf32, #tpu.memory_space<hbm>> -> memref<2x104x64xf32, #tpu.memory_space<hbm>>
        %dma_wait3A_215 = arith.constant 96 : i32
        %dma_wait3A_216 = arith.constant 0 : i32
        %dma_wait3A_217 = tpu.memref_slice %arg4[%mul3A_2, %dma_wait3A_215, %dma_wait3A_216] : memref<4096x200x64xf32, #tpu.memory_space<hbm>> -> memref<2x104x64xf32, #tpu.memory_space<hbm>>
        tpu.wait_dma2 semaphore(%arg11 : memref<!tpu.dma_semaphore, #tpu.memory_space<semaphore_mem>>) src(%arg9 : memref<2x104x64xf32, #tpu.memory_space<vmem>>) dst(%dma_wait3A_217 : memref<2x104x64xf32, #tpu.memory_space<hbm>>)
      } else {
      }
      %scan3A_193 = arith.constant 0 : i32
      %scan3A_194 = arith.constant 0 : i32
      %scan3A_195 = arith.constant 104 : i32
      %scan3A_196 = arith.addi %scan3A_194, %scan3A_195 : i32
      %scan3A_197 = arith.constant 1 : i32
      scf.for %scan3A_212 = %scan3A_194 to %scan3A_196 step %scan3A_197  : i32 {
        %get3A = arith.constant 0 : i32
        %get3A_213 = arith.index_cast %get3A : i32 to index
        %get3A_214 = arith.index_cast %scan3A_212 : i32 to index
        %get3A_215 = arith.constant 0 : index
        %get3A_216 = tpu.vector_load %arg7[%get3A_213, %get3A_214, %get3A_215] {strides = array<i32>} : memref<2x104x128xf32, #tpu.memory_space<vmem>>, vector<1x1x16xf32>,
        %get3A_217 = vector.shape_cast %get3A_216 : vector<1x1x16xf32> to vector<16xf32>
        %swap3A = arith.constant 0 : i32
        %swap3A_218 = arith.index_cast %swap3A : i32 to index
        %swap3A_219 = arith.index_cast %scan3A_212 : i32 to index
        %swap3A_220 = arith.constant 0 : index
        %swap3A_221 = tpu.vector_load %arg9[%swap3A_218, %swap3A_219, %swap3A_220] {strides = array<i32>} : memref<2x104x64xf32, #tpu.memory_space<vmem>>, vector<1x1x16xf32>,
        %swap3A_222 = vector.shape_cast %swap3A_221 : vector<1x1x16xf32> to vector<16xf32>
        %swap3A_223 = vector.shape_cast %get3A_217 : vector<16xf32> to vector<1x1x16xf32>
        tpu.vector_store %arg9[%swap3A_218, %swap3A_219, %swap3A_220], %swap3A_223 {strides = array<i32>} : memref<2x104x64xf32, #tpu.memory_space<vmem>>, vector<1x1x16xf32>,
        %get3A_224 = arith.constant 0 : i32
        %get3A_225 = arith.index_cast %get3A_224 : i32 to index
        %get3A_226 = arith.index_cast %scan3A_212 : i32 to index
        %get3A_227 = arith.constant 16 : index
        %get3A_228 = tpu.vector_load %arg7[%get3A_225, %get3A_226, %get3A_227] {strides = array<i32>} : memref<2x104x128xf32, #tpu.memory_space<vmem>>, vector<1x1x16xf32>,
        %get3A_229 = vector.shape_cast %get3A_228 : vector<1x1x16xf32> to vector<16xf32>
        %swap3A_230 = arith.constant 0 : i32
        %swap3A_231 = arith.index_cast %swap3A_230 : i32 to index
        %swap3A_232 = arith.index_cast %scan3A_212 : i32 to index
        %swap3A_233 = arith.constant 16 : index
        %swap3A_234 = tpu.vector_load %arg9[%swap3A_231, %swap3A_232, %swap3A_233] {strides = array<i32>} : memref<2x104x64xf32, #tpu.memory_space<vmem>>, vector<1x1x16xf32>,
        %swap3A_235 = vector.shape_cast %swap3A_234 : vector<1x1x16xf32> to vector<16xf32>
        %swap3A_236 = vector.shape_cast %get3A_229 : vector<16xf32> to vector<1x1x16xf32>
        tpu.vector_store %arg9[%swap3A_231, %swap3A_232, %swap3A_233], %swap3A_236 {strides = array<i32>} : memref<2x104x64xf32, #tpu.memory_space<vmem>>, vector<1x1x16xf32>,
        %get3A_237 = arith.constant 0 : i32
        %get3A_238 = arith.index_cast %get3A_237 : i32 to index
        %get3A_239 = arith.index_cast %scan3A_212 : i32 to index
        %get3A_240 = arith.constant 32 : index
        %get3A_241 = tpu.vector_load %arg7[%get3A_238, %get3A_239, %get3A_240] {strides = array<i32>} : memref<2x104x128xf32, #tpu.memory_space<vmem>>, vector<1x1x16xf32>,
        %get3A_242 = vector.shape_cast %get3A_241 : vector<1x1x16xf32> to vector<16xf32>
        %swap3A_243 = arith.constant 0 : i32
        %swap3A_244 = arith.index_cast %swap3A_243 : i32 to index
        %swap3A_245 = arith.index_cast %scan3A_212 : i32 to index
        %swap3A_246 = arith.constant 32 : index
        %swap3A_247 = tpu.vector_load %arg9[%swap3A_244, %swap3A_245, %swap3A_246] {strides = array<i32>} : memref<2x104x64xf32, #tpu.memory_space<vmem>>, vector<1x1x16xf32>,
        %swap3A_248 = vector.shape_cast %swap3A_247 : vector<1x1x16xf32> to vector<16xf32>
        %swap3A_249 = vector.shape_cast %get3A_242 : vector<16xf32> to vector<1x1x16xf32>
        tpu.vector_store %arg9[%swap3A_244, %swap3A_245, %swap3A_246], %swap3A_249 {strides = array<i32>} : memref<2x104x64xf32, #tpu.memory_space<vmem>>, vector<1x1x16xf32>,
        %get3A_250 = arith.constant 0 : i32
        %get3A_251 = arith.index_cast %get3A_250 : i32 to index
        %get3A_252 = arith.index_cast %scan3A_212 : i32 to index
        %get3A_253 = arith.constant 48 : index
        %get3A_254 = tpu.vector_load %arg7[%get3A_251, %get3A_252, %get3A_253] {strides = array<i32>} : memref<2x104x128xf32, #tpu.memory_space<vmem>>, vector<1x1x16xf32>,
        %get3A_255 = vector.shape_cast %get3A_254 : vector<1x1x16xf32> to vector<16xf32>
        %swap3A_256 = arith.constant 0 : i32
        %swap3A_257 = arith.index_cast %swap3A_256 : i32 to index
        %swap3A_258 = arith.index_cast %scan3A_212 : i32 to index
        %swap3A_259 = arith.constant 48 : index
        %swap3A_260 = tpu.vector_load %arg9[%swap3A_257, %swap3A_258, %swap3A_259] {strides = array<i32>} : memref<2x104x64xf32, #tpu.memory_space<vmem>>, vector<1x1x16xf32>,
        %swap3A_261 = vector.shape_cast %swap3A_260 : vector<1x1x16xf32> to vector<16xf32>
        %swap3A_262 = vector.shape_cast %get3A_255 : vector<16xf32> to vector<1x1x16xf32>
        tpu.vector_store %arg9[%swap3A_257, %swap3A_258, %swap3A_259], %swap3A_262 {strides = array<i32>} : memref<2x104x64xf32, #tpu.memory_space<vmem>>, vector<1x1x16xf32>,
        %get3A_263 = arith.constant 1 : i32
        %get3A_264 = arith.index_cast %get3A_263 : i32 to index
        %get3A_265 = arith.index_cast %scan3A_212 : i32 to index
        %get3A_266 = arith.constant 0 : index
        %get3A_267 = tpu.vector_load %arg7[%get3A_264, %get3A_265, %get3A_266] {strides = array<i32>} : memref<2x104x128xf32, #tpu.memory_space<vmem>>, vector<1x1x16xf32>,
        %get3A_268 = vector.shape_cast %get3A_267 : vector<1x1x16xf32> to vector<16xf32>
        %swap3A_269 = arith.constant 1 : i32
        %swap3A_270 = arith.index_cast %swap3A_269 : i32 to index
        %swap3A_271 = arith.index_cast %scan3A_212 : i32 to index
        %swap3A_272 = arith.constant 0 : index
        %swap3A_273 = tpu.vector_load %arg9[%swap3A_270, %swap3A_271, %swap3A_272] {strides = array<i32>} : memref<2x104x64xf32, #tpu.memory_space<vmem>>, vector<1x1x16xf32>,
        %swap3A_274 = vector.shape_cast %swap3A_273 : vector<1x1x16xf32> to vector<16xf32>
        %swap3A_275 = vector.shape_cast %get3A_268 : vector<16xf32> to vector<1x1x16xf32>
        tpu.vector_store %arg9[%swap3A_270, %swap3A_271, %swap3A_272], %swap3A_275 {strides = array<i32>} : memref<2x104x64xf32, #tpu.memory_space<vmem>>, vector<1x1x16xf32>,
        %get3A_276 = arith.constant 1 : i32
        %get3A_277 = arith.index_cast %get3A_276 : i32 to index
        %get3A_278 = arith.index_cast %scan3A_212 : i32 to index
        %get3A_279 = arith.constant 16 : index
        %get3A_280 = tpu.vector_load %arg7[%get3A_277, %get3A_278, %get3A_279] {strides = array<i32>} : memref<2x104x128xf32, #tpu.memory_space<vmem>>, vector<1x1x16xf32>,
        %get3A_281 = vector.shape_cast %get3A_280 : vector<1x1x16xf32> to vector<16xf32>
        %swap3A_282 = arith.constant 1 : i32
        %swap3A_283 = arith.index_cast %swap3A_282 : i32 to index
        %swap3A_284 = arith.index_cast %scan3A_212 : i32 to index
        %swap3A_285 = arith.constant 16 : index
        %swap3A_286 = tpu.vector_load %arg9[%swap3A_283, %swap3A_284, %swap3A_285] {strides = array<i32>} : memref<2x104x64xf32, #tpu.memory_space<vmem>>, vector<1x1x16xf32>,
        %swap3A_287 = vector.shape_cast %swap3A_286 : vector<1x1x16xf32> to vector<16xf32>
        %swap3A_288 = vector.shape_cast %get3A_281 : vector<16xf32> to vector<1x1x16xf32>
        tpu.vector_store %arg9[%swap3A_283, %swap3A_284, %swap3A_285], %swap3A_288 {strides = array<i32>} : memref<2x104x64xf32, #tpu.memory_space<vmem>>, vector<1x1x16xf32>,
        %get3A_289 = arith.constant 1 : i32
        %get3A_290 = arith.index_cast %get3A_289 : i32 to index
        %get3A_291 = arith.index_cast %scan3A_212 : i32 to index
        %get3A_292 = arith.constant 32 : index
        %get3A_293 = tpu.vector_load %arg7[%get3A_290, %get3A_291, %get3A_292] {strides = array<i32>} : memref<2x104x128xf32, #tpu.memory_space<vmem>>, vector<1x1x16xf32>,
        %get3A_294 = vector.shape_cast %get3A_293 : vector<1x1x16xf32> to vector<16xf32>
        %swap3A_295 = arith.constant 1 : i32
        %swap3A_296 = arith.index_cast %swap3A_295 : i32 to index
        %swap3A_297 = arith.index_cast %scan3A_212 : i32 to index
        %swap3A_298 = arith.constant 32 : index
        %swap3A_299 = tpu.vector_load %arg9[%swap3A_296, %swap3A_297, %swap3A_298] {strides = array<i32>} : memref<2x104x64xf32, #tpu.memory_space<vmem>>, vector<1x1x16xf32>,
        %swap3A_300 = vector.shape_cast %swap3A_299 : vector<1x1x16xf32> to vector<16xf32>
        %swap3A_301 = vector.shape_cast %get3A_294 : vector<16xf32> to vector<1x1x16xf32>
        tpu.vector_store %arg9[%swap3A_296, %swap3A_297, %swap3A_298], %swap3A_301 {strides = array<i32>} : memref<2x104x64xf32, #tpu.memory_space<vmem>>, vector<1x1x16xf32>,
        %get3A_302 = arith.constant 1 : i32
        %get3A_303 = arith.index_cast %get3A_302 : i32 to index
        %get3A_304 = arith.index_cast %scan3A_212 : i32 to index
        %get3A_305 = arith.constant 48 : index
        %get3A_306 = tpu.vector_load %arg7[%get3A_303, %get3A_304, %get3A_305] {strides = array<i32>} : memref<2x104x128xf32, #tpu.memory_space<vmem>>, vector<1x1x16xf32>,
        %get3A_307 = vector.shape_cast %get3A_306 : vector<1x1x16xf32> to vector<16xf32>
        %swap3A_308 = arith.constant 1 : i32
        %swap3A_309 = arith.index_cast %swap3A_308 : i32 to index
        %swap3A_310 = arith.index_cast %scan3A_212 : i32 to index
        %swap3A_311 = arith.constant 48 : index
        %swap3A_312 = tpu.vector_load %arg9[%swap3A_309, %swap3A_310, %swap3A_311] {strides = array<i32>} : memref<2x104x64xf32, #tpu.memory_space<vmem>>, vector<1x1x16xf32>,
        %swap3A_313 = vector.shape_cast %swap3A_312 : vector<1x1x16xf32> to vector<16xf32>
        %swap3A_314 = vector.shape_cast %get3A_307 : vector<16xf32> to vector<1x1x16xf32>
        tpu.vector_store %arg9[%swap3A_309, %swap3A_310, %swap3A_311], %swap3A_314 {strides = array<i32>} : memref<2x104x64xf32, #tpu.memory_space<vmem>>, vector<1x1x16xf32>,
      }
      %scan3A_198 = arith.constant 104 : i32
      %dma_start3A_199 = arith.constant 96 : i32
      %dma_start3A_200 = arith.constant 0 : i32
      %dma_start3A_201 = tpu.memref_slice %arg4[%add3A_127, %dma_start3A_199, %dma_start3A_200] : memref<4096x200x64xf32, #tpu.memory_space<hbm>> -> memref<2x104x64xf32, #tpu.memory_space<hbm>>
      %dma_start3A_202 = arith.constant 96 : i32
      %dma_start3A_203 = arith.constant 0 : i32
      %dma_start3A_204 = tpu.memref_slice %arg4[%add3A_127, %dma_start3A_202, %dma_start3A_203] : memref<4096x200x64xf32, #tpu.memory_space<hbm>> -> memref<2x104x64xf32, #tpu.memory_space<hbm>>
      tpu.enqueue_dma source(%arg9 : memref<2x104x64xf32, #tpu.memory_space<vmem>>) target(%dma_start3A_204 : memref<2x104x64xf32, #tpu.memory_space<hbm>>) target_semaphore(%arg11 : memref<!tpu.dma_semaphore, #tpu.memory_space<semaphore_mem>>)
      %add3A_205 = arith.constant 1 : i32
      %add3A_206 = arith.addi %scan3A_124, %add3A_205 : i32
      %lt3A_207 = arith.constant 32 : i32
      %lt3A_208 = arith.cmpi slt, %add3A_206, %lt3A_207 : i32
      %convert_element_type3A_209 = arith.extui %lt3A_208 : i1 to i32
      %cond3A_210 = arith.constant 0 : i32
      %cond3A_211 = arith.cmpi ne, %convert_element_type3A_209, %cond3A_210 : i32
      scf.if %cond3A_211 {
        %add3A_212 = arith.constant 1 : i32
        %add3A_213 = arith.addi %scan3A_124, %add3A_212 : i32
        %mul3A_214 = arith.constant 2 : i32
        %mul3A_215 = arith.muli %mul3A_214, %add3A_213 : i32
        %add3A_216 = arith.constant 0 : i32
        %add3A_217 = arith.addi %mul3A_215, %add3A_216 : i32
        %mul3A_218 = arith.constant 200 : i32
        %mul3A_219 = arith.muli %add3A_217, %mul3A_218 : i32
        %add3A_220 = arith.constant 96 : i32
        %add3A_221 = arith.addi %mul3A_219, %add3A_220 : i32
        %dma_start3A_222 = arith.constant 0 : i32
        %dma_start3A_223 = arith.constant 0 : i32
        %dma_start3A_224 = arith.constant 0 : i32
        %dma_start3A_225 = tpu.memref_slice %arg7[%dma_start3A_222, %dma_start3A_223, %dma_start3A_224] : memref<2x104x128xf32, #tpu.memory_space<vmem>> -> memref<1x104x128xf32, #tpu.memory_space<vmem>>
        %dma_start3A_226 = tpu.memref_squeeze %dma_start3A_225 : memref<1x104x128xf32, #tpu.memory_space<vmem>> -> memref<104x128xf32, #tpu.memory_space<vmem>>
        %dma_start3A_227 = tpu.memref_slice %arg5[%add3A_221] : memref<12800xi32, #tpu.memory_space<vmem>> -> memref<104xi32, #tpu.memory_space<vmem>>
        %dma_start3A_228 = arith.constant 0 : i32
        %dma_start3A_229 = arith.constant 0 : i32
        %dma_start3A_230 = tpu.memref_slice %arg2[%dma_start3A_228, %dma_start3A_229] : memref<100000x128xf32, #tpu.memory_space<hbm>> -> memref<100000x128xf32, #tpu.memory_space<hbm>>
        tpu.enqueue_indirect_dma source(%dma_start3A_230 : memref<100000x128xf32, #tpu.memory_space<hbm>>) target(%dma_start3A_226 : memref<104x128xf32, #tpu.memory_space<vmem>>) offsets(%dma_start3A_227 : memref<104xi32, #tpu.memory_space<vmem>>) semaphore(%arg10 : memref<!tpu.dma_semaphore, #tpu.memory_space<semaphore_mem>>)
        %mul3A_231 = arith.constant 2 : i32
        %mul3A_232 = arith.muli %mul3A_231, %add3A_213 : i32
        %add3A_233 = arith.constant 1 : i32
        %add3A_234 = arith.addi %mul3A_232, %add3A_233 : i32
        %mul3A_235 = arith.constant 200 : i32
        %mul3A_236 = arith.muli %add3A_234, %mul3A_235 : i32
        %add3A_237 = arith.constant 96 : i32
        %add3A_238 = arith.addi %mul3A_236, %add3A_237 : i32
        %dma_start3A_239 = arith.constant 1 : i32
        %dma_start3A_240 = arith.constant 0 : i32
        %dma_start3A_241 = arith.constant 0 : i32
        %dma_start3A_242 = tpu.memref_slice %arg7[%dma_start3A_239, %dma_start3A_240, %dma_start3A_241] : memref<2x104x128xf32, #tpu.memory_space<vmem>> -> memref<1x104x128xf32, #tpu.memory_space<vmem>>
        %dma_start3A_243 = tpu.memref_squeeze %dma_start3A_242 : memref<1x104x128xf32, #tpu.memory_space<vmem>> -> memref<104x128xf32, #tpu.memory_space<vmem>>
        %dma_start3A_244 = tpu.memref_slice %arg5[%add3A_238] : memref<12800xi32, #tpu.memory_space<vmem>> -> memref<104xi32, #tpu.memory_space<vmem>>
        %dma_start3A_245 = arith.constant 0 : i32
        %dma_start3A_246 = arith.constant 0 : i32
        %dma_start3A_247 = tpu.memref_slice %arg2[%dma_start3A_245, %dma_start3A_246] : memref<100000x128xf32, #tpu.memory_space<hbm>> -> memref<100000x128xf32, #tpu.memory_space<hbm>>
        tpu.enqueue_indirect_dma source(%dma_start3A_247 : memref<100000x128xf32, #tpu.memory_space<hbm>>) target(%dma_start3A_243 : memref<104x128xf32, #tpu.memory_space<vmem>>) offsets(%dma_start3A_244 : memref<104xi32, #tpu.memory_space<vmem>>) semaphore(%arg10 : memref<!tpu.dma_semaphore, #tpu.memory_space<semaphore_mem>>)
      } else {
      }
    }
    %scan3A_50 = arith.constant 32 : i32
    %dma_wait3A = arith.constant 0 : i32
    %dma_wait3A_51 = arith.constant 0 : i32
    %dma_wait3A_52 = tpu.memref_slice %arg4[%mul3A_2, %dma_wait3A, %dma_wait3A_51] : memref<4096x200x64xf32, #tpu.memory_space<hbm>> -> memref<2x96x64xf32, #tpu.memory_space<hbm>>
    %dma_wait3A_53 = arith.constant 0 : i32
    %dma_wait3A_54 = arith.constant 0 : i32
    %dma_wait3A_55 = tpu.memref_slice %arg4[%mul3A_2, %dma_wait3A_53, %dma_wait3A_54] : memref<4096x200x64xf32, #tpu.memory_space<hbm>> -> memref<2x96x64xf32, #tpu.memory_space<hbm>>
    tpu.wait_dma2 semaphore(%arg11 : memref<!tpu.dma_semaphore, #tpu.memory_space<semaphore_mem>>) src(%arg8 : memref<2x96x64xf32, #tpu.memory_space<vmem>>) dst(%dma_wait3A_55 : memref<2x96x64xf32, #tpu.memory_space<hbm>>)
    %dma_wait3A_56 = arith.constant 96 : i32
    %dma_wait3A_57 = arith.constant 0 : i32
    %dma_wait3A_58 = tpu.memref_slice %arg4[%mul3A_2, %dma_wait3A_56, %dma_wait3A_57] : memref<4096x200x64xf32, #tpu.memory_space<hbm>> -> memref<2x104x64xf32, #tpu.memory_space<hbm>>
    %dma_wait3A_59 = arith.constant 96 : i32
    %dma_wait3A_60 = arith.constant 0 : i32
    %dma_wait3A_61 = tpu.memref_slice %arg4[%mul3A_2, %dma_wait3A_59, %dma_wait3A_60] : memref<4096x200x64xf32, #tpu.memory_space<hbm>> -> memref<2x104x64xf32, #tpu.memory_space<hbm>>
    tpu.wait_dma2 semaphore(%arg11 : memref<!tpu.dma_semaphore, #tpu.memory_space<semaphore_mem>>) src(%arg9 : memref<2x104x64xf32, #tpu.memory_space<vmem>>) dst(%dma_wait3A_61 : memref<2x104x64xf32, #tpu.memory_space<hbm>>)
    %add3A_62 = arith.constant 64 : i32
    %add3A_63 = arith.addi %mul3A_2, %add3A_62 : i32
    %mul3A_64 = arith.constant 200 : i32
    %mul3A_65 = arith.muli %add3A_63, %mul3A_64 : i32
    "tpu.region"() ({
      %run_scoped3A = tpu.sem_alloc : memref<!tpu.dma_semaphore, #tpu.memory_space<semaphore_mem>>
      %dma_start3A_124 = tpu.memref_slice %arg3[%mul3A_65] : memref<819200xi32, #tpu.memory_space<hbm>> -> memref<12800xi32, #tpu.memory_space<hbm>>
      %dma_start3A_125 = tpu.memref_slice %arg3[%mul3A_65] : memref<819200xi32, #tpu.memory_space<hbm>> -> memref<12800xi32, #tpu.memory_space<hbm>>
      tpu.enqueue_dma source(%dma_start3A_125 : memref<12800xi32, #tpu.memory_space<hbm>>) target(%arg5 : memref<12800xi32, #tpu.memory_space<vmem>>) target_semaphore(%run_scoped3A : memref<!tpu.dma_semaphore, #tpu.memory_space<semaphore_mem>>)
      %dma_wait3A_126 = tpu.memref_slice %arg3[%mul3A_65] : memref<819200xi32, #tpu.memory_space<hbm>> -> memref<12800xi32, #tpu.memory_space<hbm>>
      %dma_wait3A_127 = tpu.memref_slice %arg3[%mul3A_65] : memref<819200xi32, #tpu.memory_space<hbm>> -> memref<12800xi32, #tpu.memory_space<hbm>>
      tpu.wait_dma2 semaphore(%run_scoped3A : memref<!tpu.dma_semaphore, #tpu.memory_space<semaphore_mem>>) src(%dma_wait3A_127 : memref<12800xi32, #tpu.memory_space<hbm>>) dst(%arg5 : memref<12800xi32, #tpu.memory_space<vmem>>)
      tpu.yield
    }) : () -> ()
    %dma_start3A_66 = arith.constant 0 : i32
    %dma_start3A_67 = arith.constant 0 : i32
    %dma_start3A_68 = arith.constant 0 : i32
    %dma_start3A_69 = tpu.memref_slice %arg6[%dma_start3A_66, %dma_start3A_67, %dma_start3A_68] : memref<2x96x128xf32, #tpu.memory_space<vmem>> -> memref<1x96x128xf32, #tpu.memory_space<vmem>>
    %dma_start3A_70 = tpu.memref_squeeze %dma_start3A_69 : memref<1x96x128xf32, #tpu.memory_space<vmem>> -> memref<96x128xf32, #tpu.memory_space<vmem>>
    %dma_start3A_71 = arith.constant 0 : i32
    %dma_start3A_72 = tpu.memref_slice %arg5[%dma_start3A_71] : memref<12800xi32, #tpu.memory_space<vmem>> -> memref<96xi32, #tpu.memory_space<vmem>>
    %dma_start3A_73 = arith.constant 0 : i32
    %dma_start3A_74 = arith.constant 0 : i32
    %dma_start3A_75 = tpu.memref_slice %arg2[%dma_start3A_73, %dma_start3A_74] : memref<100000x128xf32, #tpu.memory_space<hbm>> -> memref<100000x128xf32, #tpu.memory_space<hbm>>
    tpu.enqueue_indirect_dma source(%dma_start3A_75 : memref<100000x128xf32, #tpu.memory_space<hbm>>) target(%dma_start3A_70 : memref<96x128xf32, #tpu.memory_space<vmem>>) offsets(%dma_start3A_72 : memref<96xi32, #tpu.memory_space<vmem>>) semaphore(%arg10 : memref<!tpu.dma_semaphore, #tpu.memory_space<semaphore_mem>>)
    %dma_start3A_76 = arith.constant 1 : i32
    %dma_start3A_77 = arith.constant 0 : i32
    %dma_start3A_78 = arith.constant 0 : i32
    %dma_start3A_79 = tpu.memref_slice %arg6[%dma_start3A_76, %dma_start3A_77, %dma_start3A_78] : memref<2x96x128xf32, #tpu.memory_space<vmem>> -> memref<1x96x128xf32, #tpu.memory_space<vmem>>
    %dma_start3A_80 = tpu.memref_squeeze %dma_start3A_79 : memref<1x96x128xf32, #tpu.memory_space<vmem>> -> memref<96x128xf32, #tpu.memory_space<vmem>>
    %dma_start3A_81 = arith.constant 200 : i32
    %dma_start3A_82 = tpu.memref_slice %arg5[%dma_start3A_81] : memref<12800xi32, #tpu.memory_space<vmem>> -> memref<96xi32, #tpu.memory_space<vmem>>
    %dma_start3A_83 = arith.constant 0 : i32
    %dma_start3A_84 = arith.constant 0 : i32
    %dma_start3A_85 = tpu.memref_slice %arg2[%dma_start3A_83, %dma_start3A_84] : memref<100000x128xf32, #tpu.memory_space<hbm>> -> memref<100000x128xf32, #tpu.memory_space<hbm>>
    tpu.enqueue_indirect_dma source(%dma_start3A_85 : memref<100000x128xf32, #tpu.memory_space<hbm>>) target(%dma_start3A_80 : memref<96x128xf32, #tpu.memory_space<vmem>>) offsets(%dma_start3A_82 : memref<96xi32, #tpu.memory_space<vmem>>) semaphore(%arg10 : memref<!tpu.dma_semaphore, #tpu.memory_space<semaphore_mem>>)
    %dma_start3A_86 = arith.constant 0 : i32
    %dma_start3A_87 = arith.constant 0 : i32
    %dma_start3A_88 = arith.constant 0 : i32
    %dma_start3A_89 = tpu.memref_slice %arg7[%dma_start3A_86, %dma_start3A_87, %dma_start3A_88] : memref<2x104x128xf32, #tpu.memory_space<vmem>> -> memref<1x104x128xf32, #tpu.memory_space<vmem>>
    %dma_start3A_90 = tpu.memref_squeeze %dma_start3A_89 : memref<1x104x128xf32, #tpu.memory_space<vmem>> -> memref<104x128xf32, #tpu.memory_space<vmem>>
    %dma_start3A_91 = arith.constant 96 : i32
    %dma_start3A_92 = tpu.memref_slice %arg5[%dma_start3A_91] : memref<12800xi32, #tpu.memory_space<vmem>> -> memref<104xi32, #tpu.memory_space<vmem>>
    %dma_start3A_93 = arith.constant 0 : i32
    %dma_start3A_94 = arith.constant 0 : i32
    %dma_start3A_95 = tpu.memref_slice %arg2[%dma_start3A_93, %dma_start3A_94] : memref<100000x128xf32, #tpu.memory_space<hbm>> -> memref<100000x128xf32, #tpu.memory_space<hbm>>
    tpu.enqueue_indirect_dma source(%dma_start3A_95 : memref<100000x128xf32, #tpu.memory_space<hbm>>) target(%dma_start3A_90 : memref<104x128xf32, #tpu.memory_space<vmem>>) offsets(%dma_start3A_92 : memref<104xi32, #tpu.memory_space<vmem>>) semaphore(%arg10 : memref<!tpu.dma_semaphore, #tpu.memory_space<semaphore_mem>>)
    %dma_start3A_96 = arith.constant 1 : i32
    %dma_start3A_97 = arith.constant 0 : i32
    %dma_start3A_98 = arith.constant 0 : i32
    %dma_start3A_99 = tpu.memref_slice %arg7[%dma_start3A_96, %dma_start3A_97, %dma_start3A_98] : memref<2x104x128xf32, #tpu.memory_space<vmem>> -> memref<1x104x128xf32, #tpu.memory_space<vmem>>
    %dma_start3A_100 = tpu.memref_squeeze %dma_start3A_99 : memref<1x104x128xf32, #tpu.memory_space<vmem>> -> memref<104x128xf32, #tpu.memory_space<vmem>>
    %dma_start3A_101 = arith.constant 296 : i32
    %dma_start3A_102 = tpu.memref_slice %arg5[%dma_start3A_101] : memref<12800xi32, #tpu.memory_space<vmem>> -> memref<104xi32, #tpu.memory_space<vmem>>
    %dma_start3A_103 = arith.constant 0 : i32
    %dma_start3A_104 = arith.constant 0 : i32
    %dma_start3A_105 = tpu.memref_slice %arg2[%dma_start3A_103, %dma_start3A_104] : memref<100000x128xf32, #tpu.memory_space<hbm>> -> memref<100000x128xf32, #tpu.memory_space<hbm>>
    tpu.enqueue_indirect_dma source(%dma_start3A_105 : memref<100000x128xf32, #tpu.memory_space<hbm>>) target(%dma_start3A_100 : memref<104x128xf32, #tpu.memory_space<vmem>>) offsets(%dma_start3A_102 : memref<104xi32, #tpu.memory_space<vmem>>) semaphore(%arg10 : memref<!tpu.dma_semaphore, #tpu.memory_space<semaphore_mem>>)
    %scan3A_106 = arith.constant 0 : i32
    %scan3A_107 = arith.constant 0 : i32
    %scan3A_108 = arith.constant 32 : i32
    %scan3A_109 = arith.addi %scan3A_107, %scan3A_108 : i32
    %scan3A_110 = arith.constant 1 : i32
    scf.for %scan3A_124 = %scan3A_107 to %scan3A_109 step %scan3A_110  : i32 {
      %mul3A_125 = arith.constant 2 : i32
      %mul3A_126 = arith.muli %mul3A_125, %scan3A_124 : i32
      %add3A_127 = arith.addi %add3A_63, %mul3A_126 : i32
      %dma_wait3A_128 = arith.constant 0 : i32
      %dma_wait3A_129 = arith.constant 0 : i32
      %dma_wait3A_130 = arith.constant 0 : i32
      %dma_wait3A_131 = tpu.memref_slice %arg6[%dma_wait3A_128, %dma_wait3A_129, %dma_wait3A_130] : memref<2x96x128xf32, #tpu.memory_space<vmem>> -> memref<1x96x128xf32, #tpu.memory_space<vmem>>
      %dma_wait3A_132 = tpu.memref_squeeze %dma_wait3A_131 : memref<1x96x128xf32, #tpu.memory_space<vmem>> -> memref<96x128xf32, #tpu.memory_space<vmem>>
      %dma_wait3A_133 = arith.constant 0 : i32
      %dma_wait3A_134 = tpu.memref_slice %arg5[%dma_wait3A_133] : memref<12800xi32, #tpu.memory_space<vmem>> -> memref<96xi32, #tpu.memory_space<vmem>>
      %dma_wait3A_135 = arith.constant 0 : i32
      %dma_wait3A_136 = arith.constant 0 : i32
      %dma_wait3A_137 = tpu.memref_slice %arg2[%dma_wait3A_135, %dma_wait3A_136] : memref<100000x128xf32, #tpu.memory_space<hbm>> -> memref<100000x128xf32, #tpu.memory_space<hbm>>
      tpu.wait_indirect_dma semaphore(%arg10 : memref<!tpu.dma_semaphore, #tpu.memory_space<semaphore_mem>>) src(%dma_wait3A_137 : memref<100000x128xf32, #tpu.memory_space<hbm>>) dst(%dma_wait3A_132 : memref<96x128xf32, #tpu.memory_space<vmem>>)
      %dma_wait3A_138 = arith.constant 1 : i32
      %dma_wait3A_139 = arith.constant 0 : i32
      %dma_wait3A_140 = arith.constant 0 : i32
      %dma_wait3A_141 = tpu.memref_slice %arg6[%dma_wait3A_138, %dma_wait3A_139, %dma_wait3A_140] : memref<2x96x128xf32, #tpu.memory_space<vmem>> -> memref<1x96x128xf32, #tpu.memory_space<vmem>>
      %dma_wait3A_142 = tpu.memref_squeeze %dma_wait3A_141 : memref<1x96x128xf32, #tpu.memory_space<vmem>> -> memref<96x128xf32, #tpu.memory_space<vmem>>
      %dma_wait3A_143 = arith.constant 0 : i32
      %dma_wait3A_144 = tpu.memref_slice %arg5[%dma_wait3A_143] : memref<12800xi32, #tpu.memory_space<vmem>> -> memref<96xi32, #tpu.memory_space<vmem>>
      %dma_wait3A_145 = arith.constant 0 : i32
      %dma_wait3A_146 = arith.constant 0 : i32
      %dma_wait3A_147 = tpu.memref_slice %arg2[%dma_wait3A_145, %dma_wait3A_146] : memref<100000x128xf32, #tpu.memory_space<hbm>> -> memref<100000x128xf32, #tpu.memory_space<hbm>>
      tpu.wait_indirect_dma semaphore(%arg10 : memref<!tpu.dma_semaphore, #tpu.memory_space<semaphore_mem>>) src(%dma_wait3A_147 : memref<100000x128xf32, #tpu.memory_space<hbm>>) dst(%dma_wait3A_142 : memref<96x128xf32, #tpu.memory_space<vmem>>)
      %ge3A = arith.constant 1 : i32
      %ge3A_148 = arith.cmpi sge, %scan3A_124, %ge3A : i32
      %convert_element_type3A = arith.extui %ge3A_148 : i1 to i32
      %cond3A = arith.constant 0 : i32
      %cond3A_149 = arith.cmpi ne, %convert_element_type3A, %cond3A : i32
      scf.if %cond3A_149 {
        %dma_wait3A_212 = arith.constant 0 : i32
        %dma_wait3A_213 = arith.constant 0 : i32
        %dma_wait3A_214 = tpu.memref_slice %arg4[%mul3A_2, %dma_wait3A_212, %dma_wait3A_213] : memref<4096x200x64xf32, #tpu.memory_space<hbm>> -> memref<2x96x64xf32, #tpu.memory_space<hbm>>
        %dma_wait3A_215 = arith.constant 0 : i32
        %dma_wait3A_216 = arith.constant 0 : i32
        %dma_wait3A_217 = tpu.memref_slice %arg4[%mul3A_2, %dma_wait3A_215, %dma_wait3A_216] : memref<4096x200x64xf32, #tpu.memory_space<hbm>> -> memref<2x96x64xf32, #tpu.memory_space<hbm>>
        tpu.wait_dma2 semaphore(%arg11 : memref<!tpu.dma_semaphore, #tpu.memory_space<semaphore_mem>>) src(%arg8 : memref<2x96x64xf32, #tpu.memory_space<vmem>>) dst(%dma_wait3A_217 : memref<2x96x64xf32, #tpu.memory_space<hbm>>)
      } else {
      }
      %scan3A_150 = arith.constant 0 : i32
      %scan3A_151 = arith.constant 0 : i32
      %scan3A_152 = arith.constant 96 : i32
      %scan3A_153 = arith.addi %scan3A_151, %scan3A_152 : i32
      %scan3A_154 = arith.constant 1 : i32
      scf.for %scan3A_212 = %scan3A_151 to %scan3A_153 step %scan3A_154  : i32 {
        %get3A = arith.constant 0 : i32
        %get3A_213 = arith.index_cast %get3A : i32 to index
        %get3A_214 = arith.index_cast %scan3A_212 : i32 to index
        %get3A_215 = arith.constant 0 : index
        %get3A_216 = tpu.vector_load %arg6[%get3A_213, %get3A_214, %get3A_215] {strides = array<i32>} : memref<2x96x128xf32, #tpu.memory_space<vmem>>, vector<1x1x16xf32>,
        %get3A_217 = vector.shape_cast %get3A_216 : vector<1x1x16xf32> to vector<16xf32>
        %swap3A = arith.constant 0 : i32
        %swap3A_218 = arith.index_cast %swap3A : i32 to index
        %swap3A_219 = arith.index_cast %scan3A_212 : i32 to index
        %swap3A_220 = arith.constant 0 : index
        %swap3A_221 = tpu.vector_load %arg8[%swap3A_218, %swap3A_219, %swap3A_220] {strides = array<i32>} : memref<2x96x64xf32, #tpu.memory_space<vmem>>, vector<1x1x16xf32>,
        %swap3A_222 = vector.shape_cast %swap3A_221 : vector<1x1x16xf32> to vector<16xf32>
        %swap3A_223 = vector.shape_cast %get3A_217 : vector<16xf32> to vector<1x1x16xf32>
        tpu.vector_store %arg8[%swap3A_218, %swap3A_219, %swap3A_220], %swap3A_223 {strides = array<i32>} : memref<2x96x64xf32, #tpu.memory_space<vmem>>, vector<1x1x16xf32>,
        %get3A_224 = arith.constant 0 : i32
        %get3A_225 = arith.index_cast %get3A_224 : i32 to index
        %get3A_226 = arith.index_cast %scan3A_212 : i32 to index
        %get3A_227 = arith.constant 16 : index
        %get3A_228 = tpu.vector_load %arg6[%get3A_225, %get3A_226, %get3A_227] {strides = array<i32>} : memref<2x96x128xf32, #tpu.memory_space<vmem>>, vector<1x1x16xf32>,
        %get3A_229 = vector.shape_cast %get3A_228 : vector<1x1x16xf32> to vector<16xf32>
        %swap3A_230 = arith.constant 0 : i32
        %swap3A_231 = arith.index_cast %swap3A_230 : i32 to index
        %swap3A_232 = arith.index_cast %scan3A_212 : i32 to index
        %swap3A_233 = arith.constant 16 : index
        %swap3A_234 = tpu.vector_load %arg8[%swap3A_231, %swap3A_232, %swap3A_233] {strides = array<i32>} : memref<2x96x64xf32, #tpu.memory_space<vmem>>, vector<1x1x16xf32>,
        %swap3A_235 = vector.shape_cast %swap3A_234 : vector<1x1x16xf32> to vector<16xf32>
        %swap3A_236 = vector.shape_cast %get3A_229 : vector<16xf32> to vector<1x1x16xf32>
        tpu.vector_store %arg8[%swap3A_231, %swap3A_232, %swap3A_233], %swap3A_236 {strides = array<i32>} : memref<2x96x64xf32, #tpu.memory_space<vmem>>, vector<1x1x16xf32>,
        %get3A_237 = arith.constant 0 : i32
        %get3A_238 = arith.index_cast %get3A_237 : i32 to index
        %get3A_239 = arith.index_cast %scan3A_212 : i32 to index
        %get3A_240 = arith.constant 32 : index
        %get3A_241 = tpu.vector_load %arg6[%get3A_238, %get3A_239, %get3A_240] {strides = array<i32>} : memref<2x96x128xf32, #tpu.memory_space<vmem>>, vector<1x1x16xf32>,
        %get3A_242 = vector.shape_cast %get3A_241 : vector<1x1x16xf32> to vector<16xf32>
        %swap3A_243 = arith.constant 0 : i32
        %swap3A_244 = arith.index_cast %swap3A_243 : i32 to index
        %swap3A_245 = arith.index_cast %scan3A_212 : i32 to index
        %swap3A_246 = arith.constant 32 : index
        %swap3A_247 = tpu.vector_load %arg8[%swap3A_244, %swap3A_245, %swap3A_246] {strides = array<i32>} : memref<2x96x64xf32, #tpu.memory_space<vmem>>, vector<1x1x16xf32>,
        %swap3A_248 = vector.shape_cast %swap3A_247 : vector<1x1x16xf32> to vector<16xf32>
        %swap3A_249 = vector.shape_cast %get3A_242 : vector<16xf32> to vector<1x1x16xf32>
        tpu.vector_store %arg8[%swap3A_244, %swap3A_245, %swap3A_246], %swap3A_249 {strides = array<i32>} : memref<2x96x64xf32, #tpu.memory_space<vmem>>, vector<1x1x16xf32>,
        %get3A_250 = arith.constant 0 : i32
        %get3A_251 = arith.index_cast %get3A_250 : i32 to index
        %get3A_252 = arith.index_cast %scan3A_212 : i32 to index
        %get3A_253 = arith.constant 48 : index
        %get3A_254 = tpu.vector_load %arg6[%get3A_251, %get3A_252, %get3A_253] {strides = array<i32>} : memref<2x96x128xf32, #tpu.memory_space<vmem>>, vector<1x1x16xf32>,
        %get3A_255 = vector.shape_cast %get3A_254 : vector<1x1x16xf32> to vector<16xf32>
        %swap3A_256 = arith.constant 0 : i32
        %swap3A_257 = arith.index_cast %swap3A_256 : i32 to index
        %swap3A_258 = arith.index_cast %scan3A_212 : i32 to index
        %swap3A_259 = arith.constant 48 : index
        %swap3A_260 = tpu.vector_load %arg8[%swap3A_257, %swap3A_258, %swap3A_259] {strides = array<i32>} : memref<2x96x64xf32, #tpu.memory_space<vmem>>, vector<1x1x16xf32>,
        %swap3A_261 = vector.shape_cast %swap3A_260 : vector<1x1x16xf32> to vector<16xf32>
        %swap3A_262 = vector.shape_cast %get3A_255 : vector<16xf32> to vector<1x1x16xf32>
        tpu.vector_store %arg8[%swap3A_257, %swap3A_258, %swap3A_259], %swap3A_262 {strides = array<i32>} : memref<2x96x64xf32, #tpu.memory_space<vmem>>, vector<1x1x16xf32>,
        %get3A_263 = arith.constant 1 : i32
        %get3A_264 = arith.index_cast %get3A_263 : i32 to index
        %get3A_265 = arith.index_cast %scan3A_212 : i32 to index
        %get3A_266 = arith.constant 0 : index
        %get3A_267 = tpu.vector_load %arg6[%get3A_264, %get3A_265, %get3A_266] {strides = array<i32>} : memref<2x96x128xf32, #tpu.memory_space<vmem>>, vector<1x1x16xf32>,
        %get3A_268 = vector.shape_cast %get3A_267 : vector<1x1x16xf32> to vector<16xf32>
        %swap3A_269 = arith.constant 1 : i32
        %swap3A_270 = arith.index_cast %swap3A_269 : i32 to index
        %swap3A_271 = arith.index_cast %scan3A_212 : i32 to index
        %swap3A_272 = arith.constant 0 : index
        %swap3A_273 = tpu.vector_load %arg8[%swap3A_270, %swap3A_271, %swap3A_272] {strides = array<i32>} : memref<2x96x64xf32, #tpu.memory_space<vmem>>, vector<1x1x16xf32>,
        %swap3A_274 = vector.shape_cast %swap3A_273 : vector<1x1x16xf32> to vector<16xf32>
        %swap3A_275 = vector.shape_cast %get3A_268 : vector<16xf32> to vector<1x1x16xf32>
        tpu.vector_store %arg8[%swap3A_270, %swap3A_271, %swap3A_272], %swap3A_275 {strides = array<i32>} : memref<2x96x64xf32, #tpu.memory_space<vmem>>, vector<1x1x16xf32>,
        %get3A_276 = arith.constant 1 : i32
        %get3A_277 = arith.index_cast %get3A_276 : i32 to index
        %get3A_278 = arith.index_cast %scan3A_212 : i32 to index
        %get3A_279 = arith.constant 16 : index
        %get3A_280 = tpu.vector_load %arg6[%get3A_277, %get3A_278, %get3A_279] {strides = array<i32>} : memref<2x96x128xf32, #tpu.memory_space<vmem>>, vector<1x1x16xf32>,
        %get3A_281 = vector.shape_cast %get3A_280 : vector<1x1x16xf32> to vector<16xf32>
        %swap3A_282 = arith.constant 1 : i32
        %swap3A_283 = arith.index_cast %swap3A_282 : i32 to index
        %swap3A_284 = arith.index_cast %scan3A_212 : i32 to index
        %swap3A_285 = arith.constant 16 : index
        %swap3A_286 = tpu.vector_load %arg8[%swap3A_283, %swap3A_284, %swap3A_285] {strides = array<i32>} : memref<2x96x64xf32, #tpu.memory_space<vmem>>, vector<1x1x16xf32>,
        %swap3A_287 = vector.shape_cast %swap3A_286 : vector<1x1x16xf32> to vector<16xf32>
        %swap3A_288 = vector.shape_cast %get3A_281 : vector<16xf32> to vector<1x1x16xf32>
        tpu.vector_store %arg8[%swap3A_283, %swap3A_284, %swap3A_285], %swap3A_288 {strides = array<i32>} : memref<2x96x64xf32, #tpu.memory_space<vmem>>, vector<1x1x16xf32>,
        %get3A_289 = arith.constant 1 : i32
        %get3A_290 = arith.index_cast %get3A_289 : i32 to index
        %get3A_291 = arith.index_cast %scan3A_212 : i32 to index
        %get3A_292 = arith.constant 32 : index
        %get3A_293 = tpu.vector_load %arg6[%get3A_290, %get3A_291, %get3A_292] {strides = array<i32>} : memref<2x96x128xf32, #tpu.memory_space<vmem>>, vector<1x1x16xf32>,
        %get3A_294 = vector.shape_cast %get3A_293 : vector<1x1x16xf32> to vector<16xf32>
        %swap3A_295 = arith.constant 1 : i32
        %swap3A_296 = arith.index_cast %swap3A_295 : i32 to index
        %swap3A_297 = arith.index_cast %scan3A_212 : i32 to index
        %swap3A_298 = arith.constant 32 : index
        %swap3A_299 = tpu.vector_load %arg8[%swap3A_296, %swap3A_297, %swap3A_298] {strides = array<i32>} : memref<2x96x64xf32, #tpu.memory_space<vmem>>, vector<1x1x16xf32>,
        %swap3A_300 = vector.shape_cast %swap3A_299 : vector<1x1x16xf32> to vector<16xf32>
        %swap3A_301 = vector.shape_cast %get3A_294 : vector<16xf32> to vector<1x1x16xf32>
        tpu.vector_store %arg8[%swap3A_296, %swap3A_297, %swap3A_298], %swap3A_301 {strides = array<i32>} : memref<2x96x64xf32, #tpu.memory_space<vmem>>, vector<1x1x16xf32>,
        %get3A_302 = arith.constant 1 : i32
        %get3A_303 = arith.index_cast %get3A_302 : i32 to index
        %get3A_304 = arith.index_cast %scan3A_212 : i32 to index
        %get3A_305 = arith.constant 48 : index
        %get3A_306 = tpu.vector_load %arg6[%get3A_303, %get3A_304, %get3A_305] {strides = array<i32>} : memref<2x96x128xf32, #tpu.memory_space<vmem>>, vector<1x1x16xf32>,
        %get3A_307 = vector.shape_cast %get3A_306 : vector<1x1x16xf32> to vector<16xf32>
        %swap3A_308 = arith.constant 1 : i32
        %swap3A_309 = arith.index_cast %swap3A_308 : i32 to index
        %swap3A_310 = arith.index_cast %scan3A_212 : i32 to index
        %swap3A_311 = arith.constant 48 : index
        %swap3A_312 = tpu.vector_load %arg8[%swap3A_309, %swap3A_310, %swap3A_311] {strides = array<i32>} : memref<2x96x64xf32, #tpu.memory_space<vmem>>, vector<1x1x16xf32>,
        %swap3A_313 = vector.shape_cast %swap3A_312 : vector<1x1x16xf32> to vector<16xf32>
        %swap3A_314 = vector.shape_cast %get3A_307 : vector<16xf32> to vector<1x1x16xf32>
        tpu.vector_store %arg8[%swap3A_309, %swap3A_310, %swap3A_311], %swap3A_314 {strides = array<i32>} : memref<2x96x64xf32, #tpu.memory_space<vmem>>, vector<1x1x16xf32>,
      }
      %scan3A_155 = arith.constant 96 : i32
      %dma_start3A_156 = arith.constant 0 : i32
      %dma_start3A_157 = arith.constant 0 : i32
      %dma_start3A_158 = tpu.memref_slice %arg4[%add3A_127, %dma_start3A_156, %dma_start3A_157] : memref<4096x200x64xf32, #tpu.memory_space<hbm>> -> memref<2x96x64xf32, #tpu.memory_space<hbm>>
      %dma_start3A_159 = arith.constant 0 : i32
      %dma_start3A_160 = arith.constant 0 : i32
      %dma_start3A_161 = tpu.memref_slice %arg4[%add3A_127, %dma_start3A_159, %dma_start3A_160] : memref<4096x200x64xf32, #tpu.memory_space<hbm>> -> memref<2x96x64xf32, #tpu.memory_space<hbm>>
      tpu.enqueue_dma source(%arg8 : memref<2x96x64xf32, #tpu.memory_space<vmem>>) target(%dma_start3A_161 : memref<2x96x64xf32, #tpu.memory_space<hbm>>) target_semaphore(%arg11 : memref<!tpu.dma_semaphore, #tpu.memory_space<semaphore_mem>>)
      %add3A_162 = arith.constant 1 : i32
      %add3A_163 = arith.addi %scan3A_124, %add3A_162 : i32
      %lt3A = arith.constant 32 : i32
      %lt3A_164 = arith.cmpi slt, %add3A_163, %lt3A : i32
      %convert_element_type3A_165 = arith.extui %lt3A_164 : i1 to i32
      %cond3A_166 = arith.constant 0 : i32
      %cond3A_167 = arith.cmpi ne, %convert_element_type3A_165, %cond3A_166 : i32
      scf.if %cond3A_167 {
        %add3A_212 = arith.constant 1 : i32
        %add3A_213 = arith.addi %scan3A_124, %add3A_212 : i32
        %mul3A_214 = arith.constant 2 : i32
        %mul3A_215 = arith.muli %mul3A_214, %add3A_213 : i32
        %add3A_216 = arith.constant 0 : i32
        %add3A_217 = arith.addi %mul3A_215, %add3A_216 : i32
        %mul3A_218 = arith.constant 200 : i32
        %mul3A_219 = arith.muli %add3A_217, %mul3A_218 : i32
        %dma_start3A_220 = arith.constant 0 : i32
        %dma_start3A_221 = arith.constant 0 : i32
        %dma_start3A_222 = arith.constant 0 : i32
        %dma_start3A_223 = tpu.memref_slice %arg6[%dma_start3A_220, %dma_start3A_221, %dma_start3A_222] : memref<2x96x128xf32, #tpu.memory_space<vmem>> -> memref<1x96x128xf32, #tpu.memory_space<vmem>>
        %dma_start3A_224 = tpu.memref_squeeze %dma_start3A_223 : memref<1x96x128xf32, #tpu.memory_space<vmem>> -> memref<96x128xf32, #tpu.memory_space<vmem>>
        %dma_start3A_225 = tpu.memref_slice %arg5[%mul3A_219] : memref<12800xi32, #tpu.memory_space<vmem>> -> memref<96xi32, #tpu.memory_space<vmem>>
        %dma_start3A_226 = arith.constant 0 : i32
        %dma_start3A_227 = arith.constant 0 : i32
        %dma_start3A_228 = tpu.memref_slice %arg2[%dma_start3A_226, %dma_start3A_227] : memref<100000x128xf32, #tpu.memory_space<hbm>> -> memref<100000x128xf32, #tpu.memory_space<hbm>>
        tpu.enqueue_indirect_dma source(%dma_start3A_228 : memref<100000x128xf32, #tpu.memory_space<hbm>>) target(%dma_start3A_224 : memref<96x128xf32, #tpu.memory_space<vmem>>) offsets(%dma_start3A_225 : memref<96xi32, #tpu.memory_space<vmem>>) semaphore(%arg10 : memref<!tpu.dma_semaphore, #tpu.memory_space<semaphore_mem>>)
        %mul3A_229 = arith.constant 2 : i32
        %mul3A_230 = arith.muli %mul3A_229, %add3A_213 : i32
        %add3A_231 = arith.constant 1 : i32
        %add3A_232 = arith.addi %mul3A_230, %add3A_231 : i32
        %mul3A_233 = arith.constant 200 : i32
        %mul3A_234 = arith.muli %add3A_232, %mul3A_233 : i32
        %dma_start3A_235 = arith.constant 1 : i32
        %dma_start3A_236 = arith.constant 0 : i32
        %dma_start3A_237 = arith.constant 0 : i32
        %dma_start3A_238 = tpu.memref_slice %arg6[%dma_start3A_235, %dma_start3A_236, %dma_start3A_237] : memref<2x96x128xf32, #tpu.memory_space<vmem>> -> memref<1x96x128xf32, #tpu.memory_space<vmem>>
        %dma_start3A_239 = tpu.memref_squeeze %dma_start3A_238 : memref<1x96x128xf32, #tpu.memory_space<vmem>> -> memref<96x128xf32, #tpu.memory_space<vmem>>
        %dma_start3A_240 = tpu.memref_slice %arg5[%mul3A_234] : memref<12800xi32, #tpu.memory_space<vmem>> -> memref<96xi32, #tpu.memory_space<vmem>>
        %dma_start3A_241 = arith.constant 0 : i32
        %dma_start3A_242 = arith.constant 0 : i32
        %dma_start3A_243 = tpu.memref_slice %arg2[%dma_start3A_241, %dma_start3A_242] : memref<100000x128xf32, #tpu.memory_space<hbm>> -> memref<100000x128xf32, #tpu.memory_space<hbm>>
        tpu.enqueue_indirect_dma source(%dma_start3A_243 : memref<100000x128xf32, #tpu.memory_space<hbm>>) target(%dma_start3A_239 : memref<96x128xf32, #tpu.memory_space<vmem>>) offsets(%dma_start3A_240 : memref<96xi32, #tpu.memory_space<vmem>>) semaphore(%arg10 : memref<!tpu.dma_semaphore, #tpu.memory_space<semaphore_mem>>)
      } else {
      }
      %dma_wait3A_168 = arith.constant 0 : i32
      %dma_wait3A_169 = arith.constant 0 : i32
      %dma_wait3A_170 = arith.constant 0 : i32
      %dma_wait3A_171 = tpu.memref_slice %arg7[%dma_wait3A_168, %dma_wait3A_169, %dma_wait3A_170] : memref<2x104x128xf32, #tpu.memory_space<vmem>> -> memref<1x104x128xf32, #tpu.memory_space<vmem>>
      %dma_wait3A_172 = tpu.memref_squeeze %dma_wait3A_171 : memref<1x104x128xf32, #tpu.memory_space<vmem>> -> memref<104x128xf32, #tpu.memory_space<vmem>>
      %dma_wait3A_173 = arith.constant 0 : i32
      %dma_wait3A_174 = tpu.memref_slice %arg5[%dma_wait3A_173] : memref<12800xi32, #tpu.memory_space<vmem>> -> memref<104xi32, #tpu.memory_space<vmem>>
      %dma_wait3A_175 = arith.constant 0 : i32
      %dma_wait3A_176 = arith.constant 0 : i32
      %dma_wait3A_177 = tpu.memref_slice %arg2[%dma_wait3A_175, %dma_wait3A_176] : memref<100000x128xf32, #tpu.memory_space<hbm>> -> memref<100000x128xf32, #tpu.memory_space<hbm>>
      tpu.wait_indirect_dma semaphore(%arg10 : memref<!tpu.dma_semaphore, #tpu.memory_space<semaphore_mem>>) src(%dma_wait3A_177 : memref<100000x128xf32, #tpu.memory_space<hbm>>) dst(%dma_wait3A_172 : memref<104x128xf32, #tpu.memory_space<vmem>>)
      %dma_wait3A_178 = arith.constant 1 : i32
      %dma_wait3A_179 = arith.constant 0 : i32
      %dma_wait3A_180 = arith.constant 0 : i32
      %dma_wait3A_181 = tpu.memref_slice %arg7[%dma_wait3A_178, %dma_wait3A_179, %dma_wait3A_180] : memref<2x104x128xf32, #tpu.memory_space<vmem>> -> memref<1x104x128xf32, #tpu.memory_space<vmem>>
      %dma_wait3A_182 = tpu.memref_squeeze %dma_wait3A_181 : memref<1x104x128xf32, #tpu.memory_space<vmem>> -> memref<104x128xf32, #tpu.memory_space<vmem>>
      %dma_wait3A_183 = arith.constant 0 : i32
      %dma_wait3A_184 = tpu.memref_slice %arg5[%dma_wait3A_183] : memref<12800xi32, #tpu.memory_space<vmem>> -> memref<104xi32, #tpu.memory_space<vmem>>
      %dma_wait3A_185 = arith.constant 0 : i32
      %dma_wait3A_186 = arith.constant 0 : i32
      %dma_wait3A_187 = tpu.memref_slice %arg2[%dma_wait3A_185, %dma_wait3A_186] : memref<100000x128xf32, #tpu.memory_space<hbm>> -> memref<100000x128xf32, #tpu.memory_space<hbm>>
      tpu.wait_indirect_dma semaphore(%arg10 : memref<!tpu.dma_semaphore, #tpu.memory_space<semaphore_mem>>) src(%dma_wait3A_187 : memref<100000x128xf32, #tpu.memory_space<hbm>>) dst(%dma_wait3A_182 : memref<104x128xf32, #tpu.memory_space<vmem>>)
      %ge3A_188 = arith.constant 1 : i32
      %ge3A_189 = arith.cmpi sge, %scan3A_124, %ge3A_188 : i32
      %convert_element_type3A_190 = arith.extui %ge3A_189 : i1 to i32
      %cond3A_191 = arith.constant 0 : i32
      %cond3A_192 = arith.cmpi ne, %convert_element_type3A_190, %cond3A_191 : i32
      scf.if %cond3A_192 {
        %dma_wait3A_212 = arith.constant 96 : i32
        %dma_wait3A_213 = arith.constant 0 : i32
        %dma_wait3A_214 = tpu.memref_slice %arg4[%mul3A_2, %dma_wait3A_212, %dma_wait3A_213] : memref<4096x200x64xf32, #tpu.memory_space<hbm>> -> memref<2x104x64xf32, #tpu.memory_space<hbm>>
        %dma_wait3A_215 = arith.constant 96 : i32
        %dma_wait3A_216 = arith.constant 0 : i32
        %dma_wait3A_217 = tpu.memref_slice %arg4[%mul3A_2, %dma_wait3A_215, %dma_wait3A_216] : memref<4096x200x64xf32, #tpu.memory_space<hbm>> -> memref<2x104x64xf32, #tpu.memory_space<hbm>>
        tpu.wait_dma2 semaphore(%arg11 : memref<!tpu.dma_semaphore, #tpu.memory_space<semaphore_mem>>) src(%arg9 : memref<2x104x64xf32, #tpu.memory_space<vmem>>) dst(%dma_wait3A_217 : memref<2x104x64xf32, #tpu.memory_space<hbm>>)
      } else {
      }
      %scan3A_193 = arith.constant 0 : i32
      %scan3A_194 = arith.constant 0 : i32
      %scan3A_195 = arith.constant 104 : i32
      %scan3A_196 = arith.addi %scan3A_194, %scan3A_195 : i32
      %scan3A_197 = arith.constant 1 : i32
      scf.for %scan3A_212 = %scan3A_194 to %scan3A_196 step %scan3A_197  : i32 {
        %get3A = arith.constant 0 : i32
        %get3A_213 = arith.index_cast %get3A : i32 to index
        %get3A_214 = arith.index_cast %scan3A_212 : i32 to index
        %get3A_215 = arith.constant 0 : index
        %get3A_216 = tpu.vector_load %arg7[%get3A_213, %get3A_214, %get3A_215] {strides = array<i32>} : memref<2x104x128xf32, #tpu.memory_space<vmem>>, vector<1x1x16xf32>,
        %get3A_217 = vector.shape_cast %get3A_216 : vector<1x1x16xf32> to vector<16xf32>
        %swap3A = arith.constant 0 : i32
        %swap3A_218 = arith.index_cast %swap3A : i32 to index
        %swap3A_219 = arith.index_cast %scan3A_212 : i32 to index
        %swap3A_220 = arith.constant 0 : index
        %swap3A_221 = tpu.vector_load %arg9[%swap3A_218, %swap3A_219, %swap3A_220] {strides = array<i32>} : memref<2x104x64xf32, #tpu.memory_space<vmem>>, vector<1x1x16xf32>,
        %swap3A_222 = vector.shape_cast %swap3A_221 : vector<1x1x16xf32> to vector<16xf32>
        %swap3A_223 = vector.shape_cast %get3A_217 : vector<16xf32> to vector<1x1x16xf32>
        tpu.vector_store %arg9[%swap3A_218, %swap3A_219, %swap3A_220], %swap3A_223 {strides = array<i32>} : memref<2x104x64xf32, #tpu.memory_space<vmem>>, vector<1x1x16xf32>,
        %get3A_224 = arith.constant 0 : i32
        %get3A_225 = arith.index_cast %get3A_224 : i32 to index
        %get3A_226 = arith.index_cast %scan3A_212 : i32 to index
        %get3A_227 = arith.constant 16 : index
        %get3A_228 = tpu.vector_load %arg7[%get3A_225, %get3A_226, %get3A_227] {strides = array<i32>} : memref<2x104x128xf32, #tpu.memory_space<vmem>>, vector<1x1x16xf32>,
        %get3A_229 = vector.shape_cast %get3A_228 : vector<1x1x16xf32> to vector<16xf32>
        %swap3A_230 = arith.constant 0 : i32
        %swap3A_231 = arith.index_cast %swap3A_230 : i32 to index
        %swap3A_232 = arith.index_cast %scan3A_212 : i32 to index
        %swap3A_233 = arith.constant 16 : index
        %swap3A_234 = tpu.vector_load %arg9[%swap3A_231, %swap3A_232, %swap3A_233] {strides = array<i32>} : memref<2x104x64xf32, #tpu.memory_space<vmem>>, vector<1x1x16xf32>,
        %swap3A_235 = vector.shape_cast %swap3A_234 : vector<1x1x16xf32> to vector<16xf32>
        %swap3A_236 = vector.shape_cast %get3A_229 : vector<16xf32> to vector<1x1x16xf32>
        tpu.vector_store %arg9[%swap3A_231, %swap3A_232, %swap3A_233], %swap3A_236 {strides = array<i32>} : memref<2x104x64xf32, #tpu.memory_space<vmem>>, vector<1x1x16xf32>,
        %get3A_237 = arith.constant 0 : i32
        %get3A_238 = arith.index_cast %get3A_237 : i32 to index
        %get3A_239 = arith.index_cast %scan3A_212 : i32 to index
        %get3A_240 = arith.constant 32 : index
        %get3A_241 = tpu.vector_load %arg7[%get3A_238, %get3A_239, %get3A_240] {strides = array<i32>} : memref<2x104x128xf32, #tpu.memory_space<vmem>>, vector<1x1x16xf32>,
        %get3A_242 = vector.shape_cast %get3A_241 : vector<1x1x16xf32> to vector<16xf32>
        %swap3A_243 = arith.constant 0 : i32
        %swap3A_244 = arith.index_cast %swap3A_243 : i32 to index
        %swap3A_245 = arith.index_cast %scan3A_212 : i32 to index
        %swap3A_246 = arith.constant 32 : index
        %swap3A_247 = tpu.vector_load %arg9[%swap3A_244, %swap3A_245, %swap3A_246] {strides = array<i32>} : memref<2x104x64xf32, #tpu.memory_space<vmem>>, vector<1x1x16xf32>,
        %swap3A_248 = vector.shape_cast %swap3A_247 : vector<1x1x16xf32> to vector<16xf32>
        %swap3A_249 = vector.shape_cast %get3A_242 : vector<16xf32> to vector<1x1x16xf32>
        tpu.vector_store %arg9[%swap3A_244, %swap3A_245, %swap3A_246], %swap3A_249 {strides = array<i32>} : memref<2x104x64xf32, #tpu.memory_space<vmem>>, vector<1x1x16xf32>,
        %get3A_250 = arith.constant 0 : i32
        %get3A_251 = arith.index_cast %get3A_250 : i32 to index
        %get3A_252 = arith.index_cast %scan3A_212 : i32 to index
        %get3A_253 = arith.constant 48 : index
        %get3A_254 = tpu.vector_load %arg7[%get3A_251, %get3A_252, %get3A_253] {strides = array<i32>} : memref<2x104x128xf32, #tpu.memory_space<vmem>>, vector<1x1x16xf32>,
        %get3A_255 = vector.shape_cast %get3A_254 : vector<1x1x16xf32> to vector<16xf32>
        %swap3A_256 = arith.constant 0 : i32
        %swap3A_257 = arith.index_cast %swap3A_256 : i32 to index
        %swap3A_258 = arith.index_cast %scan3A_212 : i32 to index
        %swap3A_259 = arith.constant 48 : index
        %swap3A_260 = tpu.vector_load %arg9[%swap3A_257, %swap3A_258, %swap3A_259] {strides = array<i32>} : memref<2x104x64xf32, #tpu.memory_space<vmem>>, vector<1x1x16xf32>,
        %swap3A_261 = vector.shape_cast %swap3A_260 : vector<1x1x16xf32> to vector<16xf32>
        %swap3A_262 = vector.shape_cast %get3A_255 : vector<16xf32> to vector<1x1x16xf32>
        tpu.vector_store %arg9[%swap3A_257, %swap3A_258, %swap3A_259], %swap3A_262 {strides = array<i32>} : memref<2x104x64xf32, #tpu.memory_space<vmem>>, vector<1x1x16xf32>,
        %get3A_263 = arith.constant 1 : i32
        %get3A_264 = arith.index_cast %get3A_263 : i32 to index
        %get3A_265 = arith.index_cast %scan3A_212 : i32 to index
        %get3A_266 = arith.constant 0 : index
        %get3A_267 = tpu.vector_load %arg7[%get3A_264, %get3A_265, %get3A_266] {strides = array<i32>} : memref<2x104x128xf32, #tpu.memory_space<vmem>>, vector<1x1x16xf32>,
        %get3A_268 = vector.shape_cast %get3A_267 : vector<1x1x16xf32> to vector<16xf32>
        %swap3A_269 = arith.constant 1 : i32
        %swap3A_270 = arith.index_cast %swap3A_269 : i32 to index
        %swap3A_271 = arith.index_cast %scan3A_212 : i32 to index
        %swap3A_272 = arith.constant 0 : index
        %swap3A_273 = tpu.vector_load %arg9[%swap3A_270, %swap3A_271, %swap3A_272] {strides = array<i32>} : memref<2x104x64xf32, #tpu.memory_space<vmem>>, vector<1x1x16xf32>,
        %swap3A_274 = vector.shape_cast %swap3A_273 : vector<1x1x16xf32> to vector<16xf32>
        %swap3A_275 = vector.shape_cast %get3A_268 : vector<16xf32> to vector<1x1x16xf32>
        tpu.vector_store %arg9[%swap3A_270, %swap3A_271, %swap3A_272], %swap3A_275 {strides = array<i32>} : memref<2x104x64xf32, #tpu.memory_space<vmem>>, vector<1x1x16xf32>,
        %get3A_276 = arith.constant 1 : i32
        %get3A_277 = arith.index_cast %get3A_276 : i32 to index
        %get3A_278 = arith.index_cast %scan3A_212 : i32 to index
        %get3A_279 = arith.constant 16 : index
        %get3A_280 = tpu.vector_load %arg7[%get3A_277, %get3A_278, %get3A_279] {strides = array<i32>} : memref<2x104x128xf32, #tpu.memory_space<vmem>>, vector<1x1x16xf32>,
        %get3A_281 = vector.shape_cast %get3A_280 : vector<1x1x16xf32> to vector<16xf32>
        %swap3A_282 = arith.constant 1 : i32
        %swap3A_283 = arith.index_cast %swap3A_282 : i32 to index
        %swap3A_284 = arith.index_cast %scan3A_212 : i32 to index
        %swap3A_285 = arith.constant 16 : index
        %swap3A_286 = tpu.vector_load %arg9[%swap3A_283, %swap3A_284, %swap3A_285] {strides = array<i32>} : memref<2x104x64xf32, #tpu.memory_space<vmem>>, vector<1x1x16xf32>,
        %swap3A_287 = vector.shape_cast %swap3A_286 : vector<1x1x16xf32> to vector<16xf32>
        %swap3A_288 = vector.shape_cast %get3A_281 : vector<16xf32> to vector<1x1x16xf32>
        tpu.vector_store %arg9[%swap3A_283, %swap3A_284, %swap3A_285], %swap3A_288 {strides = array<i32>} : memref<2x104x64xf32, #tpu.memory_space<vmem>>, vector<1x1x16xf32>,
        %get3A_289 = arith.constant 1 : i32
        %get3A_290 = arith.index_cast %get3A_289 : i32 to index
        %get3A_291 = arith.index_cast %scan3A_212 : i32 to index
        %get3A_292 = arith.constant 32 : index
        %get3A_293 = tpu.vector_load %arg7[%get3A_290, %get3A_291, %get3A_292] {strides = array<i32>} : memref<2x104x128xf32, #tpu.memory_space<vmem>>, vector<1x1x16xf32>,
        %get3A_294 = vector.shape_cast %get3A_293 : vector<1x1x16xf32> to vector<16xf32>
        %swap3A_295 = arith.constant 1 : i32
        %swap3A_296 = arith.index_cast %swap3A_295 : i32 to index
        %swap3A_297 = arith.index_cast %scan3A_212 : i32 to index
        %swap3A_298 = arith.constant 32 : index
        %swap3A_299 = tpu.vector_load %arg9[%swap3A_296, %swap3A_297, %swap3A_298] {strides = array<i32>} : memref<2x104x64xf32, #tpu.memory_space<vmem>>, vector<1x1x16xf32>,
        %swap3A_300 = vector.shape_cast %swap3A_299 : vector<1x1x16xf32> to vector<16xf32>
        %swap3A_301 = vector.shape_cast %get3A_294 : vector<16xf32> to vector<1x1x16xf32>
        tpu.vector_store %arg9[%swap3A_296, %swap3A_297, %swap3A_298], %swap3A_301 {strides = array<i32>} : memref<2x104x64xf32, #tpu.memory_space<vmem>>, vector<1x1x16xf32>,
        %get3A_302 = arith.constant 1 : i32
        %get3A_303 = arith.index_cast %get3A_302 : i32 to index
        %get3A_304 = arith.index_cast %scan3A_212 : i32 to index
        %get3A_305 = arith.constant 48 : index
        %get3A_306 = tpu.vector_load %arg7[%get3A_303, %get3A_304, %get3A_305] {strides = array<i32>} : memref<2x104x128xf32, #tpu.memory_space<vmem>>, vector<1x1x16xf32>,
        %get3A_307 = vector.shape_cast %get3A_306 : vector<1x1x16xf32> to vector<16xf32>
        %swap3A_308 = arith.constant 1 : i32
        %swap3A_309 = arith.index_cast %swap3A_308 : i32 to index
        %swap3A_310 = arith.index_cast %scan3A_212 : i32 to index
        %swap3A_311 = arith.constant 48 : index
        %swap3A_312 = tpu.vector_load %arg9[%swap3A_309, %swap3A_310, %swap3A_311] {strides = array<i32>} : memref<2x104x64xf32, #tpu.memory_space<vmem>>, vector<1x1x16xf32>,
        %swap3A_313 = vector.shape_cast %swap3A_312 : vector<1x1x16xf32> to vector<16xf32>
        %swap3A_314 = vector.shape_cast %get3A_307 : vector<16xf32> to vector<1x1x16xf32>
        tpu.vector_store %arg9[%swap3A_309, %swap3A_310, %swap3A_311], %swap3A_314 {strides = array<i32>} : memref<2x104x64xf32, #tpu.memory_space<vmem>>, vector<1x1x16xf32>,
      }
      %scan3A_198 = arith.constant 104 : i32
      %dma_start3A_199 = arith.constant 96 : i32
      %dma_start3A_200 = arith.constant 0 : i32
      %dma_start3A_201 = tpu.memref_slice %arg4[%add3A_127, %dma_start3A_199, %dma_start3A_200] : memref<4096x200x64xf32, #tpu.memory_space<hbm>> -> memref<2x104x64xf32, #tpu.memory_space<hbm>>
      %dma_start3A_202 = arith.constant 96 : i32
      %dma_start3A_203 = arith.constant 0 : i32
      %dma_start3A_204 = tpu.memref_slice %arg4[%add3A_127, %dma_start3A_202, %dma_start3A_203] : memref<4096x200x64xf32, #tpu.memory_space<hbm>> -> memref<2x104x64xf32, #tpu.memory_space<hbm>>
      tpu.enqueue_dma source(%arg9 : memref<2x104x64xf32, #tpu.memory_space<vmem>>) target(%dma_start3A_204 : memref<2x104x64xf32, #tpu.memory_space<hbm>>) target_semaphore(%arg11 : memref<!tpu.dma_semaphore, #tpu.memory_space<semaphore_mem>>)
      %add3A_205 = arith.constant 1 : i32
      %add3A_206 = arith.addi %scan3A_124, %add3A_205 : i32
      %lt3A_207 = arith.constant 32 : i32
      %lt3A_208 = arith.cmpi slt, %add3A_206, %lt3A_207 : i32
      %convert_element_type3A_209 = arith.extui %lt3A_208 : i1 to i32
      %cond3A_210 = arith.constant 0 : i32
      %cond3A_211 = arith.cmpi ne, %convert_element_type3A_209, %cond3A_210 : i32
      scf.if %cond3A_211 {
        %add3A_212 = arith.constant 1 : i32
        %add3A_213 = arith.addi %scan3A_124, %add3A_212 : i32
        %mul3A_214 = arith.constant 2 : i32
        %mul3A_215 = arith.muli %mul3A_214, %add3A_213 : i32
        %add3A_216 = arith.constant 0 : i32
        %add3A_217 = arith.addi %mul3A_215, %add3A_216 : i32
        %mul3A_218 = arith.constant 200 : i32
        %mul3A_219 = arith.muli %add3A_217, %mul3A_218 : i32
        %add3A_220 = arith.constant 96 : i32
        %add3A_221 = arith.addi %mul3A_219, %add3A_220 : i32
        %dma_start3A_222 = arith.constant 0 : i32
        %dma_start3A_223 = arith.constant 0 : i32
        %dma_start3A_224 = arith.constant 0 : i32
        %dma_start3A_225 = tpu.memref_slice %arg7[%dma_start3A_222, %dma_start3A_223, %dma_start3A_224] : memref<2x104x128xf32, #tpu.memory_space<vmem>> -> memref<1x104x128xf32, #tpu.memory_space<vmem>>
        %dma_start3A_226 = tpu.memref_squeeze %dma_start3A_225 : memref<1x104x128xf32, #tpu.memory_space<vmem>> -> memref<104x128xf32, #tpu.memory_space<vmem>>
        %dma_start3A_227 = tpu.memref_slice %arg5[%add3A_221] : memref<12800xi32, #tpu.memory_space<vmem>> -> memref<104xi32, #tpu.memory_space<vmem>>
        %dma_start3A_228 = arith.constant 0 : i32
        %dma_start3A_229 = arith.constant 0 : i32
        %dma_start3A_230 = tpu.memref_slice %arg2[%dma_start3A_228, %dma_start3A_229] : memref<100000x128xf32, #tpu.memory_space<hbm>> -> memref<100000x128xf32, #tpu.memory_space<hbm>>
        tpu.enqueue_indirect_dma source(%dma_start3A_230 : memref<100000x128xf32, #tpu.memory_space<hbm>>) target(%dma_start3A_226 : memref<104x128xf32, #tpu.memory_space<vmem>>) offsets(%dma_start3A_227 : memref<104xi32, #tpu.memory_space<vmem>>) semaphore(%arg10 : memref<!tpu.dma_semaphore, #tpu.memory_space<semaphore_mem>>)
        %mul3A_231 = arith.constant 2 : i32
        %mul3A_232 = arith.muli %mul3A_231, %add3A_213 : i32
        %add3A_233 = arith.constant 1 : i32
        %add3A_234 = arith.addi %mul3A_232, %add3A_233 : i32
        %mul3A_235 = arith.constant 200 : i32
        %mul3A_236 = arith.muli %add3A_234, %mul3A_235 : i32
        %add3A_237 = arith.constant 96 : i32
        %add3A_238 = arith.addi %mul3A_236, %add3A_237 : i32
        %dma_start3A_239 = arith.constant 1 : i32
        %dma_start3A_240 = arith.constant 0 : i32
        %dma_start3A_241 = arith.constant 0 : i32
        %dma_start3A_242 = tpu.memref_slice %arg7[%dma_start3A_239, %dma_start3A_240, %dma_start3A_241] : memref<2x104x128xf32, #tpu.memory_space<vmem>> -> memref<1x104x128xf32, #tpu.memory_space<vmem>>
        %dma_start3A_243 = tpu.memref_squeeze %dma_start3A_242 : memref<1x104x128xf32, #tpu.memory_space<vmem>> -> memref<104x128xf32, #tpu.memory_space<vmem>>
        %dma_start3A_244 = tpu.memref_slice %arg5[%add3A_238] : memref<12800xi32, #tpu.memory_space<vmem>> -> memref<104xi32, #tpu.memory_space<vmem>>
        %dma_start3A_245 = arith.constant 0 : i32
        %dma_start3A_246 = arith.constant 0 : i32
        %dma_start3A_247 = tpu.memref_slice %arg2[%dma_start3A_245, %dma_start3A_246] : memref<100000x128xf32, #tpu.memory_space<hbm>> -> memref<100000x128xf32, #tpu.memory_space<hbm>>
        tpu.enqueue_indirect_dma source(%dma_start3A_247 : memref<100000x128xf32, #tpu.memory_space<hbm>>) target(%dma_start3A_243 : memref<104x128xf32, #tpu.memory_space<vmem>>) offsets(%dma_start3A_244 : memref<104xi32, #tpu.memory_space<vmem>>) semaphore(%arg10 : memref<!tpu.dma_semaphore, #tpu.memory_space<semaphore_mem>>)
      } else {
      }
    }
    %scan3A_111 = arith.constant 32 : i32
    %dma_wait3A_112 = arith.constant 0 : i32
    %dma_wait3A_113 = arith.constant 0 : i32
    %dma_wait3A_114 = tpu.memref_slice %arg4[%mul3A_2, %dma_wait3A_112, %dma_wait3A_113] : memref<4096x200x64xf32, #tpu.memory_space<hbm>> -> memref<2x96x64xf32, #tpu.memory_space<hbm>>
    %dma_wait3A_115 = arith.constant 0 : i32
    %dma_wait3A_116 = arith.constant 0 : i32
    %dma_wait3A_117 = tpu.memref_slice %arg4[%mul3A_2, %dma_wait3A_115, %dma_wait3A_116] : memref<4096x200x64xf32, #tpu.memory_space<hbm>> -> memref<2x96x64xf32, #tpu.memory_space<hbm>>
    tpu.wait_dma2 semaphore(%arg11 : memref<!tpu.dma_semaphore, #tpu.memory_space<semaphore_mem>>) src(%arg8 : memref<2x96x64xf32, #tpu.memory_space<vmem>>) dst(%dma_wait3A_117 : memref<2x96x64xf32, #tpu.memory_space<hbm>>)
    %dma_wait3A_118 = arith.constant 96 : i32
    %dma_wait3A_119 = arith.constant 0 : i32
    %dma_wait3A_120 = tpu.memref_slice %arg4[%mul3A_2, %dma_wait3A_118, %dma_wait3A_119] : memref<4096x200x64xf32, #tpu.memory_space<hbm>> -> memref<2x104x64xf32, #tpu.memory_space<hbm>>
    %dma_wait3A_121 = arith.constant 96 : i32
    %dma_wait3A_122 = arith.constant 0 : i32
    %dma_wait3A_123 = tpu.memref_slice %arg4[%mul3A_2, %dma_wait3A_121, %dma_wait3A_122] : memref<4096x200x64xf32, #tpu.memory_space<hbm>> -> memref<2x104x64xf32, #tpu.memory_space<hbm>>
    tpu.wait_dma2 semaphore(%arg11 : memref<!tpu.dma_semaphore, #tpu.memory_space<semaphore_mem>>) src(%arg9 : memref<2x104x64xf32, #tpu.memory_space<vmem>>) dst(%dma_wait3A_123 : memref<2x104x64xf32, #tpu.memory_space<hbm>>)
    return
  }
}

module attributes {stable_mosaic.version = 14 : i64} {
  func.func @_merge_body(%arg0: i32, %arg1: memref<4000x64xf32, #tpu.memory_space<vmem>>, %arg2: memref<4000x64xf32, #tpu.memory_space<vmem>>, %arg3: memref<4000x1xi32, #tpu.memory_space<vmem>>, %arg4: memref<4000x128xf32, #tpu.memory_space<vmem>>) attributes {dimension_semantics = [#tpu.dimension_semantics<arbitrary>], iteration_bounds = array<i64: 25>, scalar_prefetch = 0 : i64, scratch_operands = 0 : i64, tpu.core_type = #tpu.core_type<tc>, window_params = [{transform_indices = @transform_0, window_bounds = array<i64: 4000, 64>}, {transform_indices = @transform_1, window_bounds = array<i64: 4000, 64>}, {transform_indices = @transform_2, window_bounds = array<i64: 4000, 1>}, {transform_indices = @transform_3, window_bounds = array<i64: 4000, 128>}]} {
    %get3A = arith.constant 0 : index
    %get3A_0 = arith.constant 0 : index
    %get3A_1 = vector.load %arg3[%get3A, %get3A_0] : memref<4000x1xi32, #tpu.memory_space<vmem>>, vector<4000x1xi32>
    %ne3A = arith.constant 0 : i32
    %ne3A_2 = vector.broadcast %ne3A : i32 to vector<4000x1xi32>
    %ne3A_3 = arith.cmpi ne, %get3A_1, %ne3A_2 : vector<4000x1xi32>
    %get3A_4 = arith.constant 0 : index
    %get3A_5 = arith.constant 0 : index
    %get3A_6 = vector.load %arg2[%get3A_4, %get3A_5] : memref<4000x64xf32, #tpu.memory_space<vmem>>, vector<4000x64xf32>
    %get3A_7 = arith.constant 0 : index
    %get3A_8 = arith.constant 0 : index
    %get3A_9 = vector.load %arg1[%get3A_7, %get3A_8] : memref<4000x64xf32, #tpu.memory_space<vmem>>, vector<4000x64xf32>
    %broadcast_in_dim3A = vector.shape_cast %ne3A_3 : vector<4000x1xi1> to vector<4000x1xi1>
    %broadcast_in_dim3A_10 = vector.broadcast %broadcast_in_dim3A : vector<4000x1xi1> to vector<4000x64xi1>
    %select_n3A = arith.select %broadcast_in_dim3A_10, %get3A_6, %get3A_9 : vector<4000x64xi1>, vector<4000x64xf32>
    %swap3A = arith.constant 0 : index
    %swap3A_11 = arith.constant 0 : index
    %swap3A_12 = vector.load %arg4[%swap3A, %swap3A_11] : memref<4000x128xf32, #tpu.memory_space<vmem>>, vector<4000x64xf32>
    tpu.vector_store %arg4[%swap3A, %swap3A_11], %select_n3A {strides = array<i32>} : memref<4000x128xf32, #tpu.memory_space<vmem>>, vector<4000x64xf32>,
    %broadcast_in_dim3A_13 = arith.constant 0.000000e+00 : f32
    %broadcast_in_dim3A_14 = vector.broadcast %broadcast_in_dim3A_13 : f32 to vector<4000x64xf32>
    %swap3A_15 = arith.constant 0 : index
    %swap3A_16 = arith.constant 64 : index
    %swap3A_17 = vector.load %arg4[%swap3A_15, %swap3A_16] : memref<4000x128xf32, #tpu.memory_space<vmem>>, vector<4000x64xf32>
    tpu.vector_store %arg4[%swap3A_15, %swap3A_16], %broadcast_in_dim3A_14 {strides = array<i32>} : memref<4000x128xf32, #tpu.memory_space<vmem>>, vector<4000x64xf32>,
    return
  }
  func.func @transform_0(%arg0: i32) -> (i32, i32) {
    %c0_i32 = arith.constant 0 : i32
    %c0_i32_0 = arith.constant 0 : i32
    return %arg0, %c0_i32 : i32, i32
  }
  func.func @transform_1(%arg0: i32) -> (i32, i32) {
    %c0_i32 = arith.constant 0 : i32
    %c0_i32_0 = arith.constant 0 : i32
    return %arg0, %c0_i32 : i32, i32
  }
  func.func @transform_2(%arg0: i32) -> (i32, i32) {
    %c0_i32 = arith.constant 0 : i32
    %c0_i32_0 = arith.constant 0 : i32
    return %arg0, %c0_i32 : i32, i32
  }
  func.func @transform_3(%arg0: i32) -> (i32, i32) {
    %c0_i32 = arith.constant 0 : i32
    %c0_i32_0 = arith.constant 0 : i32
    return %arg0, %c0_i32 : i32, i32
  }
}

module attributes {stable_mosaic.version = 14 : i64} {
  func.func @_bm_body(%arg0: i32, %arg1: memref<8x4096xi32, #tpu.memory_space<vmem>>, %arg2: memref<8x4096xi32, #tpu.memory_space<vmem>>) attributes {dimension_semantics = [#tpu.dimension_semantics<arbitrary>], iteration_bounds = array<i64: 25>, scalar_prefetch = 0 : i64, scratch_operands = 0 : i64, tpu.core_type = #tpu.core_type<tc>, window_params = [{transform_indices = @transform_0, window_bounds = array<i64: 8, 4096>}, {transform_indices = @transform_1, window_bounds = array<i64: 8, 4096>}]} {
    %get3A = arith.constant 0 : index
    %get3A_0 = arith.constant 0 : index
    %get3A_1 = vector.load %arg1[%get3A, %get3A_0] : memref<8x4096xi32, #tpu.memory_space<vmem>>, vector<8x4096xi32>
    %ne3A = arith.constant 0 : i32
    %ne3A_2 = vector.broadcast %ne3A : i32 to vector<8x4096xi32>
    %ne3A_3 = arith.cmpi ne, %get3A_1, %ne3A_2 : vector<8x4096xi32>
    %convert_element_type3A = arith.extui %ne3A_3 : vector<8x4096xi1> to vector<8x4096xi32>
    %swap3A = arith.constant 0 : index
    %swap3A_4 = arith.constant 0 : index
    %swap3A_5 = vector.load %arg2[%swap3A, %swap3A_4] : memref<8x4096xi32, #tpu.memory_space<vmem>>, vector<8x4096xi32>
    tpu.vector_store %arg2[%swap3A, %swap3A_4], %convert_element_type3A {strides = array<i32>} : memref<8x4096xi32, #tpu.memory_space<vmem>>, vector<8x4096xi32>,
    return
  }
  func.func @transform_0(%arg0: i32) -> (i32, i32) {
    %c0_i32 = arith.constant 0 : i32
    %c0_i32_0 = arith.constant 0 : i32
    return %arg0, %c0_i32 : i32, i32
  }
  func.func @transform_1(%arg0: i32) -> (i32, i32) {
    %c0_i32 = arith.constant 0 : i32
    %c0_i32_0 = arith.constant 0 : i32
    return %arg0, %c0_i32 : i32, i32
  }
}

module attributes {stable_mosaic.version = 14 : i64} {
  func.func @_tr_body(%arg0: i32, %arg1: i32, %arg2: memref<2048x8x64xf32, #tpu.memory_space<vmem>>, %arg3: memref<8x64x2048xf32, #tpu.memory_space<vmem>>) attributes {dimension_semantics = [#tpu.dimension_semantics<arbitrary>, #tpu.dimension_semantics<arbitrary>], iteration_bounds = array<i64: 25, 2>, scalar_prefetch = 0 : i64, scratch_operands = 0 : i64, tpu.core_type = #tpu.core_type<tc>, window_params = [{transform_indices = @transform_0, window_bounds = array<i64: 2048, 8, 64>}, {transform_indices = @transform_1, window_bounds = array<i64: 8, 64, 2048>}]} {
    %get3A = arith.constant 0 : index
    %get3A_0 = arith.constant 0 : index
    %get3A_1 = arith.constant 0 : index
    %get3A_2 = vector.load %arg2[%get3A, %get3A_0, %get3A_1] : memref<2048x8x64xf32, #tpu.memory_space<vmem>>, vector<2048x1x64xf32>
    %get3A_3 = vector.shape_cast %get3A_2 : vector<2048x1x64xf32> to vector<2048x64xf32>
    %transpose3A = tpu.transpose %get3A_3, [1, 0] : vector<2048x64xf32> -> vector<64x2048xf32>
    %swap3A = arith.constant 0 : index
    %swap3A_4 = arith.constant 0 : index
    %swap3A_5 = arith.constant 0 : index
    %swap3A_6 = vector.load %arg3[%swap3A, %swap3A_4, %swap3A_5] : memref<8x64x2048xf32, #tpu.memory_space<vmem>>, vector<1x64x2048xf32>
    %swap3A_7 = vector.shape_cast %swap3A_6 : vector<1x64x2048xf32> to vector<64x2048xf32>
    %swap3A_8 = vector.shape_cast %transpose3A : vector<64x2048xf32> to vector<1x64x2048xf32>
    tpu.vector_store %arg3[%swap3A, %swap3A_4, %swap3A_5], %swap3A_8 {strides = array<i32>} : memref<8x64x2048xf32, #tpu.memory_space<vmem>>, vector<1x64x2048xf32>,
    %get3A_9 = arith.constant 0 : index
    %get3A_10 = arith.constant 1 : index
    %get3A_11 = arith.constant 0 : index
    %get3A_12 = vector.load %arg2[%get3A_9, %get3A_10, %get3A_11] : memref<2048x8x64xf32, #tpu.memory_space<vmem>>, vector<2048x1x64xf32>
    %get3A_13 = vector.shape_cast %get3A_12 : vector<2048x1x64xf32> to vector<2048x64xf32>
    %transpose3A_14 = tpu.transpose %get3A_13, [1, 0] : vector<2048x64xf32> -> vector<64x2048xf32>
    %swap3A_15 = arith.constant 1 : index
    %swap3A_16 = arith.constant 0 : index
    %swap3A_17 = arith.constant 0 : index
    %swap3A_18 = vector.load %arg3[%swap3A_15, %swap3A_16, %swap3A_17] : memref<8x64x2048xf32, #tpu.memory_space<vmem>>, vector<1x64x2048xf32>
    %swap3A_19 = vector.shape_cast %swap3A_18 : vector<1x64x2048xf32> to vector<64x2048xf32>
    %swap3A_20 = vector.shape_cast %transpose3A_14 : vector<64x2048xf32> to vector<1x64x2048xf32>
    tpu.vector_store %arg3[%swap3A_15, %swap3A_16, %swap3A_17], %swap3A_20 {strides = array<i32>} : memref<8x64x2048xf32, #tpu.memory_space<vmem>>, vector<1x64x2048xf32>,
    %get3A_21 = arith.constant 0 : index
    %get3A_22 = arith.constant 2 : index
    %get3A_23 = arith.constant 0 : index
    %get3A_24 = vector.load %arg2[%get3A_21, %get3A_22, %get3A_23] : memref<2048x8x64xf32, #tpu.memory_space<vmem>>, vector<2048x1x64xf32>
    %get3A_25 = vector.shape_cast %get3A_24 : vector<2048x1x64xf32> to vector<2048x64xf32>
    %transpose3A_26 = tpu.transpose %get3A_25, [1, 0] : vector<2048x64xf32> -> vector<64x2048xf32>
    %swap3A_27 = arith.constant 2 : index
    %swap3A_28 = arith.constant 0 : index
    %swap3A_29 = arith.constant 0 : index
    %swap3A_30 = vector.load %arg3[%swap3A_27, %swap3A_28, %swap3A_29] : memref<8x64x2048xf32, #tpu.memory_space<vmem>>, vector<1x64x2048xf32>
    %swap3A_31 = vector.shape_cast %swap3A_30 : vector<1x64x2048xf32> to vector<64x2048xf32>
    %swap3A_32 = vector.shape_cast %transpose3A_26 : vector<64x2048xf32> to vector<1x64x2048xf32>
    tpu.vector_store %arg3[%swap3A_27, %swap3A_28, %swap3A_29], %swap3A_32 {strides = array<i32>} : memref<8x64x2048xf32, #tpu.memory_space<vmem>>, vector<1x64x2048xf32>,
    %get3A_33 = arith.constant 0 : index
    %get3A_34 = arith.constant 3 : index
    %get3A_35 = arith.constant 0 : index
    %get3A_36 = vector.load %arg2[%get3A_33, %get3A_34, %get3A_35] : memref<2048x8x64xf32, #tpu.memory_space<vmem>>, vector<2048x1x64xf32>
    %get3A_37 = vector.shape_cast %get3A_36 : vector<2048x1x64xf32> to vector<2048x64xf32>
    %transpose3A_38 = tpu.transpose %get3A_37, [1, 0] : vector<2048x64xf32> -> vector<64x2048xf32>
    %swap3A_39 = arith.constant 3 : index
    %swap3A_40 = arith.constant 0 : index
    %swap3A_41 = arith.constant 0 : index
    %swap3A_42 = vector.load %arg3[%swap3A_39, %swap3A_40, %swap3A_41] : memref<8x64x2048xf32, #tpu.memory_space<vmem>>, vector<1x64x2048xf32>
    %swap3A_43 = vector.shape_cast %swap3A_42 : vector<1x64x2048xf32> to vector<64x2048xf32>
    %swap3A_44 = vector.shape_cast %transpose3A_38 : vector<64x2048xf32> to vector<1x64x2048xf32>
    tpu.vector_store %arg3[%swap3A_39, %swap3A_40, %swap3A_41], %swap3A_44 {strides = array<i32>} : memref<8x64x2048xf32, #tpu.memory_space<vmem>>, vector<1x64x2048xf32>,
    %get3A_45 = arith.constant 0 : index
    %get3A_46 = arith.constant 4 : index
    %get3A_47 = arith.constant 0 : index
    %get3A_48 = vector.load %arg2[%get3A_45, %get3A_46, %get3A_47] : memref<2048x8x64xf32, #tpu.memory_space<vmem>>, vector<2048x1x64xf32>
    %get3A_49 = vector.shape_cast %get3A_48 : vector<2048x1x64xf32> to vector<2048x64xf32>
    %transpose3A_50 = tpu.transpose %get3A_49, [1, 0] : vector<2048x64xf32> -> vector<64x2048xf32>
    %swap3A_51 = arith.constant 4 : index
    %swap3A_52 = arith.constant 0 : index
    %swap3A_53 = arith.constant 0 : index
    %swap3A_54 = vector.load %arg3[%swap3A_51, %swap3A_52, %swap3A_53] : memref<8x64x2048xf32, #tpu.memory_space<vmem>>, vector<1x64x2048xf32>
    %swap3A_55 = vector.shape_cast %swap3A_54 : vector<1x64x2048xf32> to vector<64x2048xf32>
    %swap3A_56 = vector.shape_cast %transpose3A_50 : vector<64x2048xf32> to vector<1x64x2048xf32>
    tpu.vector_store %arg3[%swap3A_51, %swap3A_52, %swap3A_53], %swap3A_56 {strides = array<i32>} : memref<8x64x2048xf32, #tpu.memory_space<vmem>>, vector<1x64x2048xf32>,
    %get3A_57 = arith.constant 0 : index
    %get3A_58 = arith.constant 5 : index
    %get3A_59 = arith.constant 0 : index
    %get3A_60 = vector.load %arg2[%get3A_57, %get3A_58, %get3A_59] : memref<2048x8x64xf32, #tpu.memory_space<vmem>>, vector<2048x1x64xf32>
    %get3A_61 = vector.shape_cast %get3A_60 : vector<2048x1x64xf32> to vector<2048x64xf32>
    %transpose3A_62 = tpu.transpose %get3A_61, [1, 0] : vector<2048x64xf32> -> vector<64x2048xf32>
    %swap3A_63 = arith.constant 5 : index
    %swap3A_64 = arith.constant 0 : index
    %swap3A_65 = arith.constant 0 : index
    %swap3A_66 = vector.load %arg3[%swap3A_63, %swap3A_64, %swap3A_65] : memref<8x64x2048xf32, #tpu.memory_space<vmem>>, vector<1x64x2048xf32>
    %swap3A_67 = vector.shape_cast %swap3A_66 : vector<1x64x2048xf32> to vector<64x2048xf32>
    %swap3A_68 = vector.shape_cast %transpose3A_62 : vector<64x2048xf32> to vector<1x64x2048xf32>
    tpu.vector_store %arg3[%swap3A_63, %swap3A_64, %swap3A_65], %swap3A_68 {strides = array<i32>} : memref<8x64x2048xf32, #tpu.memory_space<vmem>>, vector<1x64x2048xf32>,
    %get3A_69 = arith.constant 0 : index
    %get3A_70 = arith.constant 6 : index
    %get3A_71 = arith.constant 0 : index
    %get3A_72 = vector.load %arg2[%get3A_69, %get3A_70, %get3A_71] : memref<2048x8x64xf32, #tpu.memory_space<vmem>>, vector<2048x1x64xf32>
    %get3A_73 = vector.shape_cast %get3A_72 : vector<2048x1x64xf32> to vector<2048x64xf32>
    %transpose3A_74 = tpu.transpose %get3A_73, [1, 0] : vector<2048x64xf32> -> vector<64x2048xf32>
    %swap3A_75 = arith.constant 6 : index
    %swap3A_76 = arith.constant 0 : index
    %swap3A_77 = arith.constant 0 : index
    %swap3A_78 = vector.load %arg3[%swap3A_75, %swap3A_76, %swap3A_77] : memref<8x64x2048xf32, #tpu.memory_space<vmem>>, vector<1x64x2048xf32>
    %swap3A_79 = vector.shape_cast %swap3A_78 : vector<1x64x2048xf32> to vector<64x2048xf32>
    %swap3A_80 = vector.shape_cast %transpose3A_74 : vector<64x2048xf32> to vector<1x64x2048xf32>
    tpu.vector_store %arg3[%swap3A_75, %swap3A_76, %swap3A_77], %swap3A_80 {strides = array<i32>} : memref<8x64x2048xf32, #tpu.memory_space<vmem>>, vector<1x64x2048xf32>,
    %get3A_81 = arith.constant 0 : index
    %get3A_82 = arith.constant 7 : index
    %get3A_83 = arith.constant 0 : index
    %get3A_84 = vector.load %arg2[%get3A_81, %get3A_82, %get3A_83] : memref<2048x8x64xf32, #tpu.memory_space<vmem>>, vector<2048x1x64xf32>
    %get3A_85 = vector.shape_cast %get3A_84 : vector<2048x1x64xf32> to vector<2048x64xf32>
    %transpose3A_86 = tpu.transpose %get3A_85, [1, 0] : vector<2048x64xf32> -> vector<64x2048xf32>
    %swap3A_87 = arith.constant 7 : index
    %swap3A_88 = arith.constant 0 : index
    %swap3A_89 = arith.constant 0 : index
    %swap3A_90 = vector.load %arg3[%swap3A_87, %swap3A_88, %swap3A_89] : memref<8x64x2048xf32, #tpu.memory_space<vmem>>, vector<1x64x2048xf32>
    %swap3A_91 = vector.shape_cast %swap3A_90 : vector<1x64x2048xf32> to vector<64x2048xf32>
    %swap3A_92 = vector.shape_cast %transpose3A_86 : vector<64x2048xf32> to vector<1x64x2048xf32>
    tpu.vector_store %arg3[%swap3A_87, %swap3A_88, %swap3A_89], %swap3A_92 {strides = array<i32>} : memref<8x64x2048xf32, #tpu.memory_space<vmem>>, vector<1x64x2048xf32>,
    return
  }
  func.func @transform_0(%arg0: i32, %arg1: i32) -> (i32, i32, i32) {
    %c0_i32 = arith.constant 0 : i32
    %c0_i32_0 = arith.constant 0 : i32
    return %arg1, %arg0, %c0_i32 : i32, i32, i32
  }
  func.func @transform_1(%arg0: i32, %arg1: i32) -> (i32, i32, i32) {
    %c0_i32 = arith.constant 0 : i32
    %c0_i32_0 = arith.constant 0 : i32
    return %arg0, %c0_i32, %arg1 : i32, i32, i32
  }
}

</mosaic_0001>

<sc_bundles>
// kernel: kernel.6.cloned.1.call-start
scs
__scs_entry_jumppad:
0x0: {  	(pc) =	sbr.rel $0x88, $3  }
0x1: {  	(tag) =	ssettag $0x0;
	lr =	simm.s32 $0x1  }
0x2: {  	[smem:$0x3F9D] =	sst lr;
	_ =	strace $0xD0000000  }
0x3: {  	_ = 	snop  }
0x4: {  	_ = 	snop  }
0x5: {  	_ = 	snop  }
0x6: {  	_ = 	snop  }
0x7: {  	_ = 	snop  }
__scs_overlays_trampoline_lowered:
0x8: {  	[smem:$0x3FAC] =	sst s0  }
0x9: {  	[smem:$0x3FAD] =	sst s1  }
0xa: {  	[smem:$0x3FAE] =	sst s2  }
0xb: {  	[smem:$0x3FAF] =	sst s3  }
0xc: {  	[smem:$0x3FB0] =	sst s4  }
0xd: {  	[smem:$0x3FB1] =	sst s5  }
0xe: {  	[smem:$0x3FB2] =	sst s6  }
0xf: {  	[smem:$0x3FB3] =	sst s7  }
0x10: {  	[smem:$0x3FB4] =	sst s8  }
0x11: {  	[smem:$0x3FB5] =	sst s9;
	s0 =	simm.s32 @!p0 $0x0  }
0x12: {  	s1 =	sld [smem:$0x3F9B];
	s0 =	simm.s32 @p0 $0x1  }
0x13: {  	[smem:$0x3FB6] =	sst s0;
	s0 =	simm.s32 @!p1 $0x0  }
0x14: {  	s2 =	sld [smem:$0x3F9A];
	s0 =	simm.s32 @p1 $0x1  }
0x15: {  	[smem:$0x3FB7] =	sst s0;
	s0 =	simm.s32 @!p2 $0x0  }
0x16: {  	s3 =	sld [smem:$0x3FDB];
	s0 =	simm.s32 @p2 $0x1  }
0x17: {  	s4 =	simm.s32 $0x1BF5;
	[smem:$0x3FB9] =	sst s0  }
0x18: {  	s0 =	sld [smem:$0x3F9C];
	_ =	swait.ge [sflag:s4], $0x0  }
0x19: {  	s7 =	sld [smem:$0x3F9D]  }
0x1a: {  	s8 =	sadd.s32 $0xFFFFE003, lr  }
0x1b: {  	s9 =	sadd.s32 $0xFFFFFEF7, lr;
	s5 =	simm.s32 $0xFFFFFFFF;
	p2 =	slt.u32 s8, $0xFFFFF086  }
0x1c: {  	p1 =	slt.u32 s9, $0xF7A;
	s5 =	simm.s32 @!p2 $0x0  }
0x1d: {  	s5 =	simm.s32 @p1 $0x1;
	p0 =	seq.s32 s7, s2  }
0x1e: {  	s7 =	smul.u32 @!p0 $0xF7A, s2;
	p2 =	seq.s32 @!p0 s5, $0x0  }
0x1f: {  	s9 =	smul.u32 $0xF7A, s1;
	s8 =	simm.s32 @!p0 $0x1BF5;
	p2 =	por !p2, p0  }
0x20: {  	[sflag:s8] =	ssyncset.s32 @!p0 $0xFFFFF086;
	s6 =	sadd.s32 @!p0 s3, s7;
	s7 =	simm.s32 @!p0 $0x108  }
0x21: {  	s3 =	sadd.s32 s3, s9;
	s6 =	sadd.s32 @!p0 $0x88, s6;
	s7 =	simm.s32 @p2 $0x1082  }
0x22: {  	[simem:s7], [sflag:s8] =	dma.local @!p0 [hbm:s6], $0xF7A  }
0x23: {  	s9 =	sor.u32 $0xD0000000, s2;
	s6 =	simm.s32 $0x108;
	_ =	swait.ge @!p0 [sflag:s8], $0x0  }
0x24: {  	s3 =	sadd.s32 $0x88, s3;
	s6 =	simm.s32 @!p1 $0x1082;
	[sflag:s4] =	ssyncset.s32 $0xFFFFF086  }
0x25: {  	[simem:s6], [sflag:s4] =	dma.local [hbm:s3], $0xF7A  }
0x26: {  	[smem:$0x3F9D] =	sst s1;
	(tag) =	ssettag s2;
	_ =	strace s9  }
0x27: {  	s1 =	sld [smem:$0x3FAD]  }
0x28: {  	s2 =	sld [smem:$0x3FAE]  }
0x29: {  	s4 =	sld [smem:$0x3FB0]  }
0x2a: {  	p0 =	seq.s32 s5, $0x0;
	s5 =	sld [smem:$0x3FB1]  }
0x2b: {  	s6 =	sld [smem:$0x3FB2]  }
0x2c: {  	s7 =	sld [smem:$0x3FB3]  }
0x2d: {  	s3 =	simm.s32 $0x108;
	s8 =	sld [smem:$0x3FB4]  }
0x2e: {  	s3 =	simm.s32 @!p0 $0x1082;
	s9 =	sld [smem:$0x3FB5]  }
0x2f: {  	lr =	sadd.s32 s0, s3;
	s0 =	sld [smem:$0x3FAC]  }
0x30: {  	s3 =	sld [smem:$0x3FAF]  }
0x31: {  	[smem:$0x3FB8] =	sst s10  }
0x32: {  	s10 =	sld [smem:$0x3FB6];
	_ =	sdelay $0x3  }
0x33: {  	p0 =	seq.s32 s10, $0x1;
	s10 =	sld [smem:$0x3FB8];
	_ =	sdelay $0x3  }
0x34: {  	[smem:$0x3FB8] =	sst s10  }
0x35: {  	s10 =	sld [smem:$0x3FB7];
	_ =	sdelay $0x3  }
0x36: {  	p1 =	seq.s32 s10, $0x1;
	s10 =	sld [smem:$0x3FB8];
	_ =	sdelay $0x3  }
0x37: {  	[smem:$0x3FB8] =	sst s10  }
0x38: {  	s10 =	sld [smem:$0x3FB9]  }
0x39: {  	_ = 	snop;
	(pc) =	sbr.ind lr, $3  }
0x3a: {  	_ = 	snop  }
0x3b: {  	_ = 	snop  }
0x3c: {  	p2 =	seq.s32 s10, $0x1;
	s10 =	sld [smem:$0x3FB8]  }
0x3d: {  	_ =	shalt  }
0x3e: {  	_ =	shalt  }
0x3f: {  	_ =	shalt  }
0x40: {  	_ =	shalt  }
0x41: {  	_ =	shalt  }
0x42: {  	_ =	shalt  }
0x43: {  	_ =	shalt  }
0x44: {  	_ =	shalt  }
0x45: {  	_ =	shalt  }
0x46: {  	_ =	shalt  }
0x47: {  	_ =	shalt  }
0x48: {  	_ =	shalt  }
0x49: {  	_ =	shalt  }
0x4a: {  	_ =	shalt  }
0x4b: {  	_ =	shalt  }
0x4c: {  	_ =	shalt  }
0x4d: {  	_ =	shalt  }
0x4e: {  	_ =	shalt  }
0x4f: {  	_ =	shalt  }
0x50: {  	_ =	shalt  }
0x51: {  	_ =	shalt  }
0x52: {  	_ =	shalt  }
0x53: {  	_ =	shalt  }
0x54: {  	_ =	shalt  }
0x55: {  	_ =	shalt  }
0x56: {  	_ =	shalt  }
0x57: {  	_ =	shalt  }
0x58: {  	_ =	shalt  }
0x59: {  	_ =	shalt  }
0x5a: {  	_ =	shalt  }
0x5b: {  	_ =	shalt  }
0x5c: {  	_ =	shalt  }
0x5d: {  	_ =	shalt  }
0x5e: {  	_ =	shalt  }
0x5f: {  	_ =	shalt  }
0x60: {  	_ =	shalt  }
0x61: {  	_ =	shalt  }
0x62: {  	_ =	shalt  }
0x63: {  	_ =	shalt  }
0x64: {  	_ =	shalt  }
0x65: {  	_ =	shalt  }
0x66: {  	_ =	shalt  }
0x67: {  	_ =	shalt  }
0x68: {  	_ =	shalt  }
0x69: {  	_ =	shalt  }
0x6a: {  	_ =	shalt  }
0x6b: {  	_ =	shalt  }
0x6c: {  	_ =	shalt  }
0x6d: {  	_ =	shalt  }
0x6e: {  	_ =	shalt  }
0x6f: {  	_ =	shalt  }
0x70: {  	_ =	shalt  }
0x71: {  	_ =	shalt  }
0x72: {  	_ =	shalt  }
0x73: {  	_ =	shalt  }
0x74: {  	_ =	shalt  }
0x75: {  	_ =	shalt  }
0x76: {  	_ =	shalt  }
0x77: {  	_ =	shalt  }
0x78: {  	_ =	shalt  }
0x79: {  	_ =	shalt  }
0x7a: {  	_ =	shalt  }
0x7b: {  	_ =	shalt  }
0x7c: {  	_ =	shalt  }
0x7d: {  	_ =	shalt  }
0x7e: {  	_ =	shalt  }
0x7f: {  	_ =	shalt  }
0x80: {  	_ =	shalt  }
0x81: {  	_ =	shalt  }
0x82: {  	_ =	shalt  }
0x83: {  	_ =	shalt  }
0x84: {  	_ =	shalt  }
0x85: {  	_ =	shalt  }
0x86: {  	_ =	shalt  }
0x87: {  	_ =	shalt  }
.Lfunc_end0:
.L_simem_size_0:
called_computation_lowered:
.L_overlay_start_0:
0x88: {  	s2 =	sld [smem:$0x3FD9]  }
0x89: {  	s3 =	sld [smem:$0x3FFE];
	_ =	sdelay $0x1  }
0x8a: {  	s1 =	srdreg.scid  }
0x8b: {  	s0 =	sand.u32 $0x1, s1  }
0x8c: {  	s16 =	sshll.u32 s0, $0xA;
	s2 =	sadd.s32 s3, s2  }
0x8d: {  	s2 =	sadd.s32 s2, s16  }
0x8e: {  	[smem:$0x3FC4] =	sst s2  }
0x8f: {  	_ = 	snop  }
0x90: {  	(tm) =	ssettm $0x1  }
0x91: {  	s17 =	sld [smem:$0x3FFB];
	_ =	sdelay $0x3  }
0x92: {  	_ =	strace s17  }
0x93: {  	s2 =	sld [smem:$0x3FFC];
	_ =	sdelay $0x3  }
0x94: {  	_ =	strace s2  }
0x95: {  	s2 =	sld [smem:$0x3FFD];
	_ =	sdelay $0x3  }
0x96: {  	_ =	strace s2  }
0x97: {  	_ =	strace $0x8FFFFFFF  }
0x98: {  	s18 =	sld [smem:$0x3FDB];
	_ =	sdelay $0x1  }
0x99: {  	s19 =	simm.s32 $_scs_section_size  }
0x9a: {  	s4 =	simm.s32 $_size__tile_overlayer_lowered;
	s5 =	simm.s32 $_tile_overlayer_lowered  }
0x9b: {  	s22 =	simm.s32 $0x1BFF;
	s21 =	sshll.u32 s5, $0x1;
	s2 =	sadd.s32 s19, s18  }
0x9c: {  	s6 =	simm.s32 $0x0;
	s20 =	sshll.u32 s4, $0x1;
	s4 =	sadd.s32 s21, s2  }
0x9d: {  	[timem:s6], [sflag:s22] =	dma.local [hbm:s4], s20  }
0x9e: {  	_ =	swait.ge [sflag:s22], s20  }
0x9f: {  	s3 =	ssub.s32 $0x0, s20;
	[sflag:s22] =	ssyncset.done $0x0  }
0xa0: {  	[sflag:s22] =	ssyncadd.s32 s3;
	_ =	sdelay $0x1  }
0xa1: {  	s23 =	simm.s32 $0x1B8B  }
0xa2: {  	_ =	swait.ge [sflag:s23], $0x1  }
0xa3: {  	[sflag:s23] =	ssyncset.done $0x0  }
0xa4: {  	s25 =	simm.s32 $0x1B8E;
	s24 =	sld [smem:$0x3FFE];
	[sflag:s23] =	ssyncadd.s32 $0xFFFFFFFF  }
0xa5: {  	s26 =	simm.s32 $execute0_lowered;
	[smem:$0x3FD2] =	sst s25  }
0xa6: {  	s4 =	sshll.u32 s26, $0x1;
	_ =	strace $0x80000046;
	[dreg:$0x1] =	wrdreg $0xFFFFFFFF  }
0xa7: {  	s28 =	simm.s32 $_size_execute0_lowered;
	s2 =	sadd.s32 s2, s4;
	[dreg:$0x0] =	wrdreg $0x0  }
0xa8: {  	s4 =	sshll.u32 s28, $0x1;
	[dreg:$0x2] =	wrdreg s2  }
0xa9: {  	[dreg:$0x3] =	wrdreg s4  }
0xaa: {  	[dreg:$0x4] =	wrdreg $0xC0  }
0xab: {  	_ =	task [dreg:s6], $0x5FFFF  }
0xac: {  	[dreg:$0x1] =	wrdreg $0xFFFFFFFF  }
0xad: {  	[dreg:$0x0] =	wrdreg $0x60  }
0xae: {  	[dreg:$0x2] =	wrdreg s24  }
0xaf: {  	[dreg:$0x3] =	wrdreg $0x9  }
0xb0: {  	_ =	task.clear_ibuf [dreg:s6], $0x4FFFF;
	_ =	strace $0x90000046  }
0xb1: {  	s29 =	simm.s32 $0x9;
	_ =	strace $0x80000048  }
0xb2: {  	_ =	swait.ge [sflag:s29], $0x1  }
0xb3: {  	[sflag:s29] =	ssyncadd.s32 $0xFFFFFFFF  }
0xb4: {  	_ =	strace $0x90000048  }
0xb5: {  	_ =	sfence  }
0xb6: {  	s30 =	sld [smem:$0x0];
	_ =	sdelay $0x2  }
0xb7: {  	s31 =	sshll.u32 s1, $0xD;
	s1 =	sshrl.u32 s1, $0x2  }
0xb8: {  	s3 =	sand.u32 $0x4000, s31;
	s1 =	sadd.s32 s1, s30  }
0xb9: {  	s0 =	sor.u32 s3, s0;
	s1 =	sshll.u32 s1, $0x11  }
0xba: {  	s0 =	sor.u32 s1, s0  }
0xbb: {  	s0 =	sadd.s32 $0x8F2B, s0  }
0xbc: {  	[sflag:s0] =	ssyncadd.remote.s32 $0x1  }
0xbd: {  	_ =	sfence.sel $0xFFFF  }
0xbe: {  	[dreg:$0x0] =	wrdreg $0xFFFFFFFF;
	(pc) =	sbr.abs _section_cstart, $3  }
0xbf: {  	[dreg:$0x1] =	wrdreg $0xFFFFFFFF  }
0xc0: {  	_ =	task.clear_ibuf [dreg:s6], $0x2FFFF;
	_ =	strace $0x9FFFFFFF  }
0xc1: {  	(tm) =	ssettm $0x7FFFFFFF  }
tec
execute0_lowered:
.L_overlay_start_1:
0x0: {  	(tag) =	ssettag $0x1  }
0x1: {  	s0 =	srdreg.scid  }
0x2: {  	s2 =	stileid.u32;
	s1 =	rddreg [dreg:$0x0]  }
0x3: {  	s10 =	simm.s32 $0x3;
	s11 =	simm.s32 $0x60;
	s12 =	simm.s32 $0x3200  }
0x4: {  	s13 =	simm.s32 $0xC8;
	s14 =	simm.s32 $0x6200;
	s15 =	simm.s32 $0x68  }
0x5: {  	s16 =	simm.s32 $0x9200;
	s17 =	simm.s32 $0x128;
	s18 =	simm.s32 $0xC600  }
0x6: {  	s19 =	simm.s32 $0x1;
	s20 =	simm.s32 $0x3000;
	s21 =	simm.s32 $0x6400  }
0x7: {  	s22 =	simm.s32 $0xFA00;
	s23 =	simm.s32 $0x3400;
	s24 =	simm.s32 $0x15A00  }
0x8: {  	s25 =	simm.s32 $0x2;
	s0 =	sand.u32 $0x1, s0;
	s3 =	sshll.u32 s2, $0x1  }
0x9: {  	s26 =	simm.s32 $0x0;
	s2 =	simm.s32 $0x0;
	s4 =	sor.u32 s0, s3  }
0xa: {  	s5 =	sadd.s32 $0x328A00, s1;
	s9 =	sadd.s32 $0x30FA00, s1;
	s3 =	sshll.u32 s4, $0x7  }
0xb: {  	s0 =	ssub.s32 $0x2, s0;
	s7 =	smul.u32 $0xC80, s4;
	s4 =	sor.u32 $0x40, s3  }
0xc: {  	[smem:$0x7FF] =	sst s2;
	s31 =	sshrl.u32 s0, $0x1;
	s8 =	smul.u32 $0x19, s4  }
0xd: {  	s6 =	sadd.s32 $0x4AF400, s1;
	_ =	strace $0x80000047;
	s0 =	ssub.s32 s0, s31  }
0xe: {  	s7 =	sadd.s32 s9, s7;
	s8 =	sadd.s32 s9, s8;
	s9 =	smax.u32 s0, $0x1  }
.LBB2_1:
0xf: {  	[tilespmem:s2], [sflag:$0x3] =	stream.linear.gather [hbm4b:s7+s2], $0x3200, $0x38;
	[tilespmem:$0x1C200] =	vst v63  }
0x10: {  	_ =	swait.ge [sflag:s10], $0x3200  }
0x11: {  	[sflag:s10] =	ssyncset.done $0x0  }
0x12: {  	[sflag:s10] =	ssyncadd.s32 $0xFFFFCE00  }
0x13: {  	[tilespmem:s12], [sflag:$0x1] =	stream.indirect.gather [hbm4b:s5+s11], $0x80, s2, s11, $0xb8;
	[tilespmem:$0x1C200] =	vst v63  }
0x14: {  	_ = 	snop  }
0x15: {  	[tilespmem:s14], [sflag:$0x1] =	stream.indirect.gather [hbm4b:s5+s11], $0x80, s13, s11, $0xb8;
	[tilespmem:$0x1C200] =	vst v63  }
0x16: {  	_ = 	snop  }
0x17: {  	[tilespmem:s16], [sflag:$0x1] =	stream.indirect.gather [hbm4b:s5+s15], $0x80, s11, s15, $0xb8;
	[tilespmem:$0x1C200] =	vst v63  }
0x18: {  	s29 =	simm.s32 $0x0  }
0x19: {  	[tilespmem:s18], [sflag:$0x1] =	stream.indirect.gather [hbm4b:s5+s15], $0x80, s17, s15, $0xb8;
	[tilespmem:$0x1C200] =	vst v63  }
.LBB2_2:
0x1a: {  	_ =	swait.ge [sflag:s19], $0x3000  }
0x1b: {  	[sflag:s19] =	ssyncset.done $0x0  }
0x1c: {  	[sflag:s19] =	ssyncadd.s32 $0xFFFFD000  }
0x1d: {  	_ =	swait.ge [sflag:s19], $0x3000  }
0x1e: {  	p1 =	seq.s32 s29, $0x0;
	[sflag:s19] =	ssyncset.done $0x0  }
0x1f: {  	s0 =	simm.s32 @!p1 $0x2;
	[sflag:s19] =	ssyncadd.s32 $0xFFFFD000  }
0x20: {  	_ =	swait.ge @!p1 [sflag:s0], $0x6000  }
0x21: {  	[sflag:s0] =	ssyncset.done @!p1 $0x0  }
0x22: {  	s28 =	simm.s32 $0x0;
	[sflag:s0] =	ssyncadd.s32 @!p1 $0xFFFFA000  }
0x23: {  	v3 =	vld [tilespmem:s28+$0x6230]  }
0x24: {  	v4 =	vld [tilespmem:s28+$0x3200]  }
0x25: {  	v5 =	vld [tilespmem:s28+$0x3210]  }
0x26: {  	v2 =	vld [tilespmem:s28+$0x3220]  }
0x27: {  	v0 =	vld [tilespmem:s28+$0x3230]  }
0x28: {  	v1 =	vld [tilespmem:s28+$0x6200];
	[tilespmem:s28+$0x12A30] =	vst v3  }
0x29: {  	s1 =	sshll.u32 s29, $0x1;
	[tilespmem:s28+$0xFA00] =	vst v4;
	v3 =	vld [tilespmem:s28+$0x6210]  }
0x2a: {  	s31 =	simm.s32 $0x80;
	s30 =	sadd.s32 s3, s1;
	s1 =	simm.s32 $0x400;
	[tilespmem:s28+$0xFA10] =	vst v5;
	v4 =	vld [tilespmem:s28+$0x6220]  }
.LBB2_3:
0x2b: {  	p0 =	sne.s32 s1, $0xBE00;
	v5 =	vld [tilespmem:s31+$0x6230];
	[tilespmem:s28+$0xFA20] =	vst v2  }
0x2c: {  	v6 =	vld [tilespmem:s31+$0x3200];
	[tilespmem:s28+$0xFA30] =	vst v0  }
0x2d: {  	v7 =	vld [tilespmem:s31+$0x3210];
	[tilespmem:s28+$0x12A00] =	vst v1  }
.Ltmp0:
0x2e: {  	v2 =	vld [tilespmem:s31+$0x3220];
	[tilespmem:s28+$0x12A10] =	vst v3;
	(pc) =	sbr.rel @p0 .LBB2_3-.Ltmp0, $4  }
0x2f: {  	v0 =	vld [tilespmem:s31+$0x3230];
	[tilespmem:s28+$0x12A20] =	vst v4;
	s28 =	smov.u32 s31  }
0x30: {  	v1 =	vld [tilespmem:s28+$0x6200];
	[tilespmem:s28+$0x12A30] =	vst v5  }
0x31: {  	[tilespmem:s28+$0xFA00] =	vst v6;
	v3 =	vld [tilespmem:s28+$0x6210]  }
0x32: {  	s31 =	sshra.s32 s1, $0x2;
	s1 =	sadd.s32 $0x200, s1;
	[tilespmem:s28+$0xFA10] =	vst v7;
	v4 =	vld [tilespmem:s28+$0x6220]  }
0x33: {  	v5 =	vld [tilespmem:s31+$0x6230];
	[tilespmem:s28+$0xFA20] =	vst v2  }
0x34: {  	v2 =	vld [tilespmem:s31+$0x3200];
	[tilespmem:s28+$0xFA30] =	vst v0  }
0x35: {  	v0 =	vld [tilespmem:s31+$0x3210];
	[tilespmem:s28+$0x12A00] =	vst v1  }
0x36: {  	v1 =	vld [tilespmem:s31+$0x3220];
	[tilespmem:s28+$0x12A10] =	vst v3  }
0x37: {  	v3 =	vld [tilespmem:s31+$0x3230];
	[tilespmem:s28+$0x12A20] =	vst v4  }
0x38: {  	v4 =	vld [tilespmem:s31+$0x6200];
	[tilespmem:s31+$0x12A30] =	vst v5  }
0x39: {  	[tilespmem:s31+$0xFA00] =	vst v2;
	v2 =	vld [tilespmem:s31+$0x6210]  }
0x3a: {  	[tilespmem:s31+$0xFA10] =	vst v0;
	v0 =	vld [tilespmem:s31+$0x6220]  }
0x3b: {  	[tilespmem:s31+$0xFA20] =	vst v1  }
0x3c: {  	s0 =	smul.u32 $0x6400, s30;
	[tilespmem:s31+$0xFA30] =	vst v3  }
0x3d: {  	[tilespmem:s31+$0x12A00] =	vst v4  }
0x3e: {  	p0 =	seq.s32 s29, $0x1F;
	s0 =	sshrl.u32 s0, $0x3;
	s28 =	sadd.s32 $0x1, s29;
	[tilespmem:s31+$0x12A10] =	vst v2  }
0x3f: {  	s30 =	sadd.s32 s6, s0;
	s0 =	smul.u32 @!p0 $0x640, s28;
	[tilespmem:s31+$0x12A20] =	vst v0  }
0x40: {  	[hbm4b:s30+s20] =	stream.strided.scatter [tilespmem:s22], [sflag:$0x2], $0x6000, s21, s20, $0x38;
	[tilespmem:$0x1C200] =	vst v63  }
0x41: {  	s1 =	simm.s32 @!p0 $0x3200;
	s29 =	sshra.s32 @!p0 s0, $0x2;
	s0 =	simm.s32 @!p0 $0x60  }
0x42: {  	[tilespmem:s1], [sflag:$0x1] =	stream.indirect.gather @!p0 [hbm4b:s5+s0], $0x80, s29, s0, $0xb8;
	[tilespmem:$0x1C200] =	vst v63  }
0x43: {  	s31 =	simm.s32 @!p0 $0x6200;
	s1 =	sadd.s32 @!p0 $0xC8, s29  }
0x44: {  	[tilespmem:s31], [sflag:$0x1] =	stream.indirect.gather @!p0 [hbm4b:s5+s0], $0x80, s1, s0, $0xb8;
	[tilespmem:$0x1C200] =	vst v63  }
0x45: {  	_ =	swait.ge [sflag:s19], $0x3400  }
0x46: {  	[sflag:s19] =	ssyncset.done $0x0  }
0x47: {  	[sflag:s19] =	ssyncadd.s32 $0xFFFFCC00  }
0x48: {  	_ =	swait.ge [sflag:s19], $0x3400  }
0x49: {  	[sflag:s19] =	ssyncset.done $0x0  }
0x4a: {  	s0 =	simm.s32 @!p1 $0x2;
	[sflag:s19] =	ssyncadd.s32 $0xFFFFCC00  }
0x4b: {  	_ =	swait.ge @!p1 [sflag:s0], $0x6800  }
0x4c: {  	[sflag:s0] =	ssyncset.done @!p1 $0x0  }
0x4d: {  	s31 =	simm.s32 $0x0;
	[sflag:s0] =	ssyncadd.s32 @!p1 $0xFFFF9800  }
0x4e: {  	v3 =	vld [tilespmem:s31+$0xC630]  }
0x4f: {  	v4 =	vld [tilespmem:s31+$0x9200]  }
0x50: {  	v5 =	vld [tilespmem:s31+$0x9210]  }
0x51: {  	v2 =	vld [tilespmem:s31+$0x9220]  }
0x52: {  	v0 =	vld [tilespmem:s31+$0x9230]  }
0x53: {  	v1 =	vld [tilespmem:s31+$0xC600];
	[tilespmem:s31+$0x18E30] =	vst v3  }
0x54: {  	[tilespmem:s31+$0x15A00] =	vst v4;
	v3 =	vld [tilespmem:s31+$0xC610]  }
0x55: {  	s1 =	simm.s32 $0x80;
	s0 =	simm.s32 $0x400;
	[tilespmem:s31+$0x15A10] =	vst v5;
	v4 =	vld [tilespmem:s31+$0xC620]  }
.LBB2_5:
0x56: {  	p1 =	sne.s32 s0, $0xCE00;
	v5 =	vld [tilespmem:s1+$0xC630];
	[tilespmem:s31+$0x15A20] =	vst v2  }
0x57: {  	v6 =	vld [tilespmem:s1+$0x9200];
	[tilespmem:s31+$0x15A30] =	vst v0  }
0x58: {  	v7 =	vld [tilespmem:s1+$0x9210];
	[tilespmem:s31+$0x18E00] =	vst v1  }
.Ltmp1:
0x59: {  	v2 =	vld [tilespmem:s1+$0x9220];
	[tilespmem:s31+$0x18E10] =	vst v3;
	(pc) =	sbr.rel @p1 .LBB2_5-.Ltmp1, $4  }
0x5a: {  	v0 =	vld [tilespmem:s1+$0x9230];
	[tilespmem:s31+$0x18E20] =	vst v4;
	s31 =	smov.u32 s1  }
0x5b: {  	v1 =	vld [tilespmem:s31+$0xC600];
	[tilespmem:s31+$0x18E30] =	vst v5  }
0x5c: {  	[tilespmem:s31+$0x15A00] =	vst v6;
	v3 =	vld [tilespmem:s31+$0xC610]  }
0x5d: {  	s1 =	sshra.s32 s0, $0x2;
	s0 =	sadd.s32 $0x200, s0;
	[tilespmem:s31+$0x15A10] =	vst v7;
	v4 =	vld [tilespmem:s31+$0xC620]  }
0x5e: {  	v5 =	vld [tilespmem:s1+$0xC630];
	[tilespmem:s31+$0x15A20] =	vst v2  }
0x5f: {  	v2 =	vld [tilespmem:s1+$0x9200];
	[tilespmem:s31+$0x15A30] =	vst v0  }
0x60: {  	v0 =	vld [tilespmem:s1+$0x9210];
	[tilespmem:s31+$0x18E00] =	vst v1  }
0x61: {  	v1 =	vld [tilespmem:s1+$0x9220];
	[tilespmem:s31+$0x18E10] =	vst v3  }
0x62: {  	v3 =	vld [tilespmem:s1+$0x9230];
	[tilespmem:s31+$0x18E20] =	vst v4  }
0x63: {  	v4 =	vld [tilespmem:s1+$0xC600];
	[tilespmem:s1+$0x18E30] =	vst v5  }
0x64: {  	v62 =	vld [tilespmem:s1+$0xC610];
	[tilespmem:s1+$0x15A00] =	vst v2  }
0x65: {  	v63 =	vld [tilespmem:s1+$0xC620];
	[tilespmem:s1+$0x15A10] =	vst v0  }
0x66: {  	[tilespmem:s1+$0x15A20] =	vst v1  }
0x67: {  	[tilespmem:s1+$0x15A30] =	vst v3  }
0x68: {  	[tilespmem:s1+$0x18E00] =	vst v4  }
0x69: {  	[tilespmem:s1+$0x18E10] =	vst v62  }
0x6a: {  	s0 =	sadd.s32 $0x600, s30;
	[tilespmem:s1+$0x18E20] =	vst v63  }
0x6b: {  	[hbm4b:s0+s23] =	stream.strided.scatter [tilespmem:s24], [sflag:$0x2], $0x6800, s21, s23, $0x38;
	[tilespmem:$0x1C200] =	vst v63  }
0x6c: {  	s30 =	simm.s32 @!p0 $0x9200;
	s1 =	simm.s32 @!p0 $0x68;
	s0 =	sadd.s32 @!p0 $0x60, s29  }
0x6d: {  	[tilespmem:s30], [sflag:$0x1] =	stream.indirect.gather @!p0 [hbm4b:s5+s1], $0x80, s0, s1, $0xb8;
	[tilespmem:$0x1C200] =	vst v63  }
0x6e: {  	p1 =	sne.s32 @!p0 s28, $0x20;
	s0 =	sadd.s32 @!p0 $0x128, s29;
	s29 =	simm.s32 @!p0 $0xC600  }
0x6f: {  	[tilespmem:s29], [sflag:$0x1] =	stream.indirect.gather @!p0 [hbm4b:s5+s1], $0x80, s0, s1, $0xb8;
	[tilespmem:$0x1C200] =	vst v63  }
0x70: {  	p0 =	por p0, !p1  }
.Ltmp2:
0x71: {  	_ = 	snop;
	(pc) =	sbr.rel @!p0 .LBB2_2-.Ltmp2, $2  }
0x72: {  	_ =	sdelay $0x2  }
0x73: {  	s29 =	smov.u32 s28  }
0x74: {  	_ =	swait.ge [sflag:s25], $0x6000  }
0x75: {  	[sflag:s25] =	ssyncset.done $0x0  }
0x76: {  	[sflag:s25] =	ssyncadd.s32 $0xFFFFA000  }
0x77: {  	_ =	swait.ge [sflag:s25], $0x6800  }
0x78: {  	[sflag:s25] =	ssyncset.done $0x0  }
0x79: {  	s29 =	simm.s32 $0x0;
	[sflag:s25] =	ssyncadd.s32 $0xFFFF9800  }
0x7a: {  	[tilespmem:s29], [sflag:$0x3] =	stream.linear.gather [hbm4b:s8+s29], $0x3200, $0x38;
	[tilespmem:$0x1C200] =	vst v63  }
0x7b: {  	_ =	swait.ge [sflag:s10], $0x3200  }
0x7c: {  	[sflag:s10] =	ssyncset.done $0x0  }
0x7d: {  	[sflag:s10] =	ssyncadd.s32 $0xFFFFCE00  }
0x7e: {  	[tilespmem:s12], [sflag:$0x1] =	stream.indirect.gather [hbm4b:s5+s11], $0x80, s29, s11, $0xb8;
	[tilespmem:$0x1C200] =	vst v63  }
0x7f: {  	_ = 	snop  }
0x80: {  	[tilespmem:s14], [sflag:$0x1] =	stream.indirect.gather [hbm4b:s5+s11], $0x80, s13, s11, $0xb8;
	[tilespmem:$0x1C200] =	vst v63  }
0x81: {  	_ = 	snop  }
0x82: {  	[tilespmem:s16], [sflag:$0x1] =	stream.indirect.gather [hbm4b:s5+s15], $0x80, s11, s15, $0xb8;
	[tilespmem:$0x1C200] =	vst v63  }
0x83: {  	_ = 	snop  }
0x84: {  	[tilespmem:s18], [sflag:$0x1] =	stream.indirect.gather [hbm4b:s5+s15], $0x80, s17, s15, $0xb8;
	[tilespmem:$0x1C200] =	vst v63  }
.LBB2_8:
0x85: {  	_ =	swait.ge [sflag:s19], $0x3000  }
0x86: {  	[sflag:s19] =	ssyncset.done $0x0  }
0x87: {  	[sflag:s19] =	ssyncadd.s32 $0xFFFFD000  }
0x88: {  	_ =	swait.ge [sflag:s19], $0x3000  }
0x89: {  	p1 =	seq.s32 s29, $0x0;
	[sflag:s19] =	ssyncset.done $0x0  }
0x8a: {  	s0 =	simm.s32 @!p1 $0x2;
	[sflag:s19] =	ssyncadd.s32 $0xFFFFD000  }
0x8b: {  	_ =	swait.ge @!p1 [sflag:s0], $0x6000  }
0x8c: {  	[sflag:s0] =	ssyncset.done @!p1 $0x0  }
0x8d: {  	s28 =	simm.s32 $0x0;
	[sflag:s0] =	ssyncadd.s32 @!p1 $0xFFFFA000  }
0x8e: {  	v3 =	vld [tilespmem:s28+$0x6230]  }
0x8f: {  	v4 =	vld [tilespmem:s28+$0x3200]  }
0x90: {  	v5 =	vld [tilespmem:s28+$0x3210]  }
0x91: {  	v2 =	vld [tilespmem:s28+$0x3220]  }
0x92: {  	v0 =	vld [tilespmem:s28+$0x3230]  }
0x93: {  	v1 =	vld [tilespmem:s28+$0x6200];
	[tilespmem:s28+$0x12A30] =	vst v3  }
0x94: {  	s1 =	sshll.u32 s29, $0x1;
	[tilespmem:s28+$0xFA00] =	vst v4;
	v3 =	vld [tilespmem:s28+$0x6210]  }
0x95: {  	s31 =	simm.s32 $0x80;
	s30 =	sadd.s32 s4, s1;
	s0 =	simm.s32 $0x400;
	[tilespmem:s28+$0xFA10] =	vst v5;
	v4 =	vld [tilespmem:s28+$0x6220]  }
.LBB2_9:
0x96: {  	p0 =	sne.s32 s0, $0xBE00;
	v5 =	vld [tilespmem:s31+$0x6230];
	[tilespmem:s28+$0xFA20] =	vst v2  }
0x97: {  	v6 =	vld [tilespmem:s31+$0x3200];
	[tilespmem:s28+$0xFA30] =	vst v0  }
0x98: {  	v7 =	vld [tilespmem:s31+$0x3210];
	[tilespmem:s28+$0x12A00] =	vst v1  }
.Ltmp3:
0x99: {  	v2 =	vld [tilespmem:s31+$0x3220];
	[tilespmem:s28+$0x12A10] =	vst v3;
	(pc) =	sbr.rel @p0 .LBB2_9-.Ltmp3, $4  }
0x9a: {  	v0 =	vld [tilespmem:s31+$0x3230];
	[tilespmem:s28+$0x12A20] =	vst v4;
	s28 =	smov.u32 s31  }
0x9b: {  	v1 =	vld [tilespmem:s28+$0x6200];
	[tilespmem:s28+$0x12A30] =	vst v5  }
0x9c: {  	[tilespmem:s28+$0xFA00] =	vst v6;
	v3 =	vld [tilespmem:s28+$0x6210]  }
0x9d: {  	s31 =	sshra.s32 s0, $0x2;
	s0 =	sadd.s32 $0x200, s0;
	[tilespmem:s28+$0xFA10] =	vst v7;
	v4 =	vld [tilespmem:s28+$0x6220]  }
0x9e: {  	v5 =	vld [tilespmem:s31+$0x6230];
	[tilespmem:s28+$0xFA20] =	vst v2  }
0x9f: {  	v2 =	vld [tilespmem:s31+$0x3200];
	[tilespmem:s28+$0xFA30] =	vst v0  }
0xa0: {  	v0 =	vld [tilespmem:s31+$0x3210];
	[tilespmem:s28+$0x12A00] =	vst v1  }
0xa1: {  	v1 =	vld [tilespmem:s31+$0x3220];
	[tilespmem:s28+$0x12A10] =	vst v3  }
0xa2: {  	v3 =	vld [tilespmem:s31+$0x3230];
	[tilespmem:s28+$0x12A20] =	vst v4  }
0xa3: {  	v4 =	vld [tilespmem:s31+$0x6200];
	[tilespmem:s31+$0x12A30] =	vst v5  }
0xa4: {  	[tilespmem:s31+$0xFA00] =	vst v2;
	v2 =	vld [tilespmem:s31+$0x6210]  }
0xa5: {  	[tilespmem:s31+$0xFA10] =	vst v0;
	v0 =	vld [tilespmem:s31+$0x6220]  }
0xa6: {  	[tilespmem:s31+$0xFA20] =	vst v1  }
0xa7: {  	s0 =	smul.u32 $0x6400, s30;
	[tilespmem:s31+$0xFA30] =	vst v3  }
0xa8: {  	[tilespmem:s31+$0x12A00] =	vst v4  }
0xa9: {  	p0 =	seq.s32 s29, $0x1F;
	s0 =	sshrl.u32 s0, $0x3;
	s28 =	sadd.s32 $0x1, s29;
	[tilespmem:s31+$0x12A10] =	vst v2  }
0xaa: {  	s30 =	sadd.s32 s6, s0;
	s0 =	smul.u32 @!p0 $0x640, s28;
	[tilespmem:s31+$0x12A20] =	vst v0  }
0xab: {  	[hbm4b:s30+s20] =	stream.strided.scatter [tilespmem:s22], [sflag:$0x2], $0x6000, s21, s20, $0x38;
	[tilespmem:$0x1C200] =	vst v63  }
0xac: {  	s1 =	simm.s32 @!p0 $0x3200;
	s29 =	sshra.s32 @!p0 s0, $0x2;
	s0 =	simm.s32 @!p0 $0x60  }
0xad: {  	[tilespmem:s1], [sflag:$0x1] =	stream.indirect.gather @!p0 [hbm4b:s5+s0], $0x80, s29, s0, $0xb8;
	[tilespmem:$0x1C200] =	vst v63  }
0xae: {  	s31 =	simm.s32 @!p0 $0x6200;
	s1 =	sadd.s32 @!p0 $0xC8, s29  }
0xaf: {  	[tilespmem:s31], [sflag:$0x1] =	stream.indirect.gather @!p0 [hbm4b:s5+s0], $0x80, s1, s0, $0xb8;
	[tilespmem:$0x1C200] =	vst v63  }
0xb0: {  	_ =	swait.ge [sflag:s19], $0x3400  }
0xb1: {  	[sflag:s19] =	ssyncset.done $0x0  }
0xb2: {  	[sflag:s19] =	ssyncadd.s32 $0xFFFFCC00  }
0xb3: {  	_ =	swait.ge [sflag:s19], $0x3400  }
0xb4: {  	[sflag:s19] =	ssyncset.done $0x0  }
0xb5: {  	s0 =	simm.s32 @!p1 $0x2;
	[sflag:s19] =	ssyncadd.s32 $0xFFFFCC00  }
0xb6: {  	_ =	swait.ge @!p1 [sflag:s0], $0x6800  }
0xb7: {  	[sflag:s0] =	ssyncset.done @!p1 $0x0  }
0xb8: {  	s31 =	simm.s32 $0x0;
	[sflag:s0] =	ssyncadd.s32 @!p1 $0xFFFF9800  }
0xb9: {  	v3 =	vld [tilespmem:s31+$0xC630]  }
0xba: {  	v4 =	vld [tilespmem:s31+$0x9200]  }
0xbb: {  	v5 =	vld [tilespmem:s31+$0x9210]  }
0xbc: {  	v2 =	vld [tilespmem:s31+$0x9220]  }
0xbd: {  	v0 =	vld [tilespmem:s31+$0x9230]  }
0xbe: {  	v1 =	vld [tilespmem:s31+$0xC600];
	[tilespmem:s31+$0x18E30] =	vst v3  }
0xbf: {  	[tilespmem:s31+$0x15A00] =	vst v4;
	v3 =	vld [tilespmem:s31+$0xC610]  }
0xc0: {  	s1 =	simm.s32 $0x80;
	s0 =	simm.s32 $0x400;
	[tilespmem:s31+$0x15A10] =	vst v5;
	v4 =	vld [tilespmem:s31+$0xC620]  }
.LBB2_11:
0xc1: {  	p1 =	sne.s32 s0, $0xCE00;
	v5 =	vld [tilespmem:s1+$0xC630];
	[tilespmem:s31+$0x15A20] =	vst v2  }
0xc2: {  	v6 =	vld [tilespmem:s1+$0x9200];
	[tilespmem:s31+$0x15A30] =	vst v0  }
0xc3: {  	v7 =	vld [tilespmem:s1+$0x9210];
	[tilespmem:s31+$0x18E00] =	vst v1  }
.Ltmp4:
0xc4: {  	v2 =	vld [tilespmem:s1+$0x9220];
	[tilespmem:s31+$0x18E10] =	vst v3;
	(pc) =	sbr.rel @p1 .LBB2_11-.Ltmp4, $4  }
0xc5: {  	v0 =	vld [tilespmem:s1+$0x9230];
	[tilespmem:s31+$0x18E20] =	vst v4;
	s31 =	smov.u32 s1  }
0xc6: {  	v1 =	vld [tilespmem:s31+$0xC600];
	[tilespmem:s31+$0x18E30] =	vst v5  }
0xc7: {  	[tilespmem:s31+$0x15A00] =	vst v6;
	v3 =	vld [tilespmem:s31+$0xC610]  }
0xc8: {  	s1 =	sshra.s32 s0, $0x2;
	s0 =	sadd.s32 $0x200, s0;
	[tilespmem:s31+$0x15A10] =	vst v7;
	v4 =	vld [tilespmem:s31+$0xC620]  }
0xc9: {  	v5 =	vld [tilespmem:s1+$0xC630];
	[tilespmem:s31+$0x15A20] =	vst v2  }
0xca: {  	v2 =	vld [tilespmem:s1+$0x9200];
	[tilespmem:s31+$0x15A30] =	vst v0  }
0xcb: {  	v0 =	vld [tilespmem:s1+$0x9210];
	[tilespmem:s31+$0x18E00] =	vst v1  }
0xcc: {  	v1 =	vld [tilespmem:s1+$0x9220];
	[tilespmem:s31+$0x18E10] =	vst v3  }
0xcd: {  	v3 =	vld [tilespmem:s1+$0x9230];
	[tilespmem:s31+$0x18E20] =	vst v4  }
0xce: {  	v4 =	vld [tilespmem:s1+$0xC600];
	[tilespmem:s1+$0x18E30] =	vst v5  }
0xcf: {  	v62 =	vld [tilespmem:s1+$0xC610];
	[tilespmem:s1+$0x15A00] =	vst v2  }
0xd0: {  	v63 =	vld [tilespmem:s1+$0xC620];
	[tilespmem:s1+$0x15A10] =	vst v0  }
0xd1: {  	[tilespmem:s1+$0x15A20] =	vst v1  }
0xd2: {  	[tilespmem:s1+$0x15A30] =	vst v3  }
0xd3: {  	[tilespmem:s1+$0x18E00] =	vst v4  }
0xd4: {  	[tilespmem:s1+$0x18E10] =	vst v62  }
0xd5: {  	s0 =	sadd.s32 $0x600, s30;
	[tilespmem:s1+$0x18E20] =	vst v63  }
0xd6: {  	[hbm4b:s0+s23] =	stream.strided.scatter [tilespmem:s24], [sflag:$0x2], $0x6800, s21, s23, $0x38;
	[tilespmem:$0x1C200] =	vst v63  }
0xd7: {  	s30 =	simm.s32 @!p0 $0x9200;
	s1 =	simm.s32 @!p0 $0x68;
	s0 =	sadd.s32 @!p0 $0x60, s29  }
0xd8: {  	[tilespmem:s30], [sflag:$0x1] =	stream.indirect.gather @!p0 [hbm4b:s5+s1], $0x80, s0, s1, $0xb8;
	[tilespmem:$0x1C200] =	vst v63  }
0xd9: {  	p1 =	sne.s32 @!p0 s28, $0x20;
	s0 =	sadd.s32 @!p0 $0x128, s29;
	s29 =	simm.s32 @!p0 $0xC600  }
0xda: {  	[tilespmem:s29], [sflag:$0x1] =	stream.indirect.gather @!p0 [hbm4b:s5+s1], $0x80, s0, s1, $0xb8;
	[tilespmem:$0x1C200] =	vst v63  }
0xdb: {  	p0 =	por p0, !p1  }
.Ltmp5:
0xdc: {  	_ = 	snop;
	(pc) =	sbr.rel @!p0 .LBB2_8-.Ltmp5, $2  }
0xdd: {  	_ =	sdelay $0x2  }
0xde: {  	s29 =	smov.u32 s28  }
0xdf: {  	s26 =	sadd.s32 $0x1, s26  }
0xe0: {  	_ =	swait.ge [sflag:s25], $0x6000;
	p0 =	sne.s32 s26, s9  }
.Ltmp6:
0xe1: {  	[sflag:s25] =	ssyncset.done $0x0;
	(pc) =	sbr.rel @p0 .LBB2_1-.Ltmp6, $4  }
0xe2: {  	[sflag:s25] =	ssyncadd.s32 $0xFFFFA000  }
0xe3: {  	_ =	swait.ge [sflag:s25], $0x6800  }
0xe4: {  	[sflag:s25] =	ssyncset.done $0x0  }
0xe5: {  	[sflag:s25] =	ssyncadd.s32 $0xFFFF9800  }
0xe6: {  	_ =	sfence.sel $0x180000  }
0xe7: {  	[bflag:$0x0] =	sbarrier.arrive $0xFFFF  }
0xe8: {  	_ =	strace $0x90000047  }
0xe9: {  	s0 =	stileid.u32;
	[bflag:$0x2] =	sbarrier.arrive $0xFFFF  }
0xea: {  	p0 =	sne.s32 s0, $0x0;
	s0 =	rddreg [dreg:$0x1]  }
0xeb: {  	s0 =	sadd.s32 @!p0 $0x100000, s0  }
0xec: {  	[sflag:s0] =	ssyncadd.tile.s32 @!p0 $0x1;
	_ =	shalt  }
.Lfunc_end2:
_tile_overlayer_lowered:
.L_overlay_start_2:
0xed: {  	(tag) =	ssettag $0x2  }
0xee: {  	s0 =	rddreg [dreg:$0x0];
	s2 =	stileid.u32  }
0xef: {  	s1 =	rddreg [dreg:$0x1];
	p0 =	sne.s32 s2, $0x0  }
0xf0: {  	s3 =	rddreg [dreg:$0x2];
	[bflag:$0x3] =	sbarrier.arrive $0xFFFF;
	s2 =	simm.s32 @!p0 $0x1C03  }
0xf1: {  	[timem:s3], [sflag:s2] =	dma.local @!p0 [hbm:s0], s1  }
0xf2: {  	s0 =	simm.s32 @!p0 $0x3  }
0xf3: {  	_ =	swait.ge @!p0 [sflag:s0], s1  }
0xf4: {  	s1 =	ssub.s32 @!p0 $0x0, s1;
	[sflag:s0] =	ssyncset.done @!p0 $0x0  }
0xf5: {  	[sflag:s0] =	ssyncadd.s32 @!p0 s1  }
0xf6: {  	[bflag:$0x3] =	sbarrier.arrive $0xFFFF  }
0xf7: {  	_ =	shalt  }

</sc_bundles>
